<compile_context>
chip_gen: v7x
topology: tpu7x:2x2x1
jax: 0.10.2.dev20260603
libtpu: 0.0.44.dev20260713+nightly
codegen_flags: <defaults>
</compile_context>

<pallas_src>
import functools

import jax
import jax.numpy as jnp
from jax import lax
from jax.experimental import pallas as pl
from jax.experimental.pallas import tpu as pltpu
from jax.experimental.pallas import tpu_sc as plsc

N = 5000
NP = 5120
BLK = 512
NBLK = NP // BLK
CW = 1280
NCHUNK = NP // 16
IOU_THRESH = 0.2
SCORE_THRESH = 0.2

_sc_mesh = plsc.VectorSubcoreMesh(
    core_axis_name="c", subcore_axis_name="s", num_cores=2, num_subcores=16)


@functools.partial(
    pl.kernel,
    out_type=(
        jax.ShapeDtypeStruct((NP,), jnp.float32),
        jax.ShapeDtypeStruct((NP,), jnp.float32),
        jax.ShapeDtypeStruct((NP,), jnp.float32),
        jax.ShapeDtypeStruct((NP,), jnp.float32),
        jax.ShapeDtypeStruct((NP,), jnp.int32),
        jax.ShapeDtypeStruct((16,), jnp.int32),
        jax.ShapeDtypeStruct((NP,), jnp.float32),
        jax.ShapeDtypeStruct((NP,), jnp.float32),
        jax.ShapeDtypeStruct((NP,), jnp.float32),
        jax.ShapeDtypeStruct((NP,), jnp.float32),
        jax.ShapeDtypeStruct((NP,), jnp.float32),
    ),
    mesh=_sc_mesh,
    compiler_params=pltpu.CompilerParams(needs_layout_passes=False),
    scratch_types=[
        pltpu.VMEM((4 * N,), jnp.float32),
        pltpu.VMEM((NP,), jnp.int32),
        pltpu.VMEM((NP + 16,), jnp.float32),
        pltpu.VMEM((NP + 16,), jnp.float32),
        pltpu.VMEM((NP + 16,), jnp.float32),
        pltpu.VMEM((NP + 16,), jnp.float32),
        pltpu.VMEM((NP + 16,), jnp.int32),
        pltpu.VMEM((16,), jnp.int32),
        pltpu.VMEM((N,), jnp.float32),
        pltpu.VMEM((NP,), jnp.float32),
        pltpu.VMEM((NP,), jnp.float32),
        pltpu.VMEM((NP,), jnp.float32),
        pltpu.VMEM((NP,), jnp.float32),
        pltpu.VMEM((NP,), jnp.float32),
        pltpu.SemaphoreType.DMA,
    ],
)
def _sc_compact(bf_hbm, ord_hbm, sc_hbm,
                ox1, oy1, ox2, oy2, oidx, ocnt, sx1o, sy1o, sx2o, sy2o, sso,
                bf_v, ord_v, cx1, cy1, cx2, cy2, cidx, cnt_v,
                sc_v, sx1, sy1, sx2, sy2, ss, dsem):
    cid = lax.axis_index("c")
    sid = lax.axis_index("s")

    @pl.when((cid == 0) & (sid == 0))
    def _():
        c1 = pltpu.async_copy(bf_hbm, bf_v, dsem)
        c2 = pltpu.async_copy(ord_hbm, ord_v, dsem)
        c3 = pltpu.async_copy(sc_hbm, sc_v, dsem)
        c1.wait()
        c2.wait()
        c3.wait()
        lanes = lax.iota(jnp.int32, 16)

        def chunk(k, off):
            sl = pl.ds(k * 16, 16)
            raw = ord_v[sl]
            raw4 = raw * 4
            x1 = plsc.load_gather(bf_v, [raw4])
            y1 = plsc.load_gather(bf_v, [raw4 + 1])
            x2 = plsc.load_gather(bf_v, [raw4 + 2])
            y2 = plsc.load_gather(bf_v, [raw4 + 3])
            sx1[sl] = x1
            sy1[sl] = y1
            sx2[sl] = x2
            sy2[sl] = y2
            ss[sl] = plsc.load_gather(sc_v, [raw])
            area = jnp.maximum(x2 - x1, 0.0) * jnp.maximum(y2 - y1, 0.0)
            msk = area > 0.0
            key = jnp.where(msk, lanes, lanes + 16)
            _, loc = plsc.sort_key_val(key, lanes)
            sraw4 = plsc.load_gather(ord_v, [k * 16 + loc]) * 4
            dst = pl.ds(off, 16)
            cx1[dst] = plsc.load_gather(bf_v, [sraw4])
            cy1[dst] = plsc.load_gather(bf_v, [sraw4 + 1])
            cx2[dst] = plsc.load_gather(bf_v, [sraw4 + 2])
            cy2[dst] = plsc.load_gather(bf_v, [sraw4 + 3])
            cidx[dst] = k * 16 + loc
            return off + plsc.all_reduce_population_count(msk)[0]

        def chunk2(k2, off):
            return chunk(2 * k2 + 1, chunk(2 * k2, off))

        cnt = lax.fori_loop(0, NCHUNK // 2, chunk2, jnp.int32(0))
        cnt_v[...] = jnp.full((16,), cnt, jnp.int32)
        head = pl.ds(0, NP)
        outs = [pltpu.async_copy(cx1.at[head], ox1, dsem),
                pltpu.async_copy(cy1.at[head], oy1, dsem),
                pltpu.async_copy(cx2.at[head], ox2, dsem),
                pltpu.async_copy(cy2.at[head], oy2, dsem),
                pltpu.async_copy(cidx.at[head], oidx, dsem),
                pltpu.async_copy(cnt_v, ocnt, dsem),
                pltpu.async_copy(sx1, sx1o, dsem),
                pltpu.async_copy(sy1, sy1o, dsem),
                pltpu.async_copy(sx2, sx2o, dsem),
                pltpu.async_copy(sy2, sy2o, dsem),
                pltpu.async_copy(ss, sso, dsem)]
        for c in outs:
            c.wait()


def _nms_block_kernel(cnt_ref, cb_ref, cbT_ref, mask_out_ref, mask_ref):
    i = pl.program_id(0)

    @pl.when(i == 0)
    def _init():
        mask_ref[...] = jnp.ones((1, NP), jnp.float32)

    cnt = cnt_ref[0]

    @pl.when(i * BLK < cnt)
    def _active():
        x1r = cb_ref[:, 0:1]
        y1r = cb_ref[:, 1:2]
        x2r = cb_ref[:, 2:3]
        y2r = cb_ref[:, 3:4]
        areas_r = jnp.maximum(x2r - x1r, 0.0) * jnp.maximum(y2r - y1r, 0.0)

        base = pl.multiple_of(i * BLK, BLK)
        x1cb = cbT_ref[0:1, pl.ds(base, BLK)]
        y1cb = cbT_ref[1:2, pl.ds(base, BLK)]
        x2cb = cbT_ref[2:3, pl.ds(base, BLK)]
        y2cb = cbT_ref[3:4, pl.ds(base, BLK)]
        areas_cb = jnp.maximum(x2cb - x1cb, 0.0) * jnp.maximum(y2cb - y1cb, 0.0)
        wb = jnp.maximum(jnp.minimum(x2r, x2cb) - jnp.maximum(x1r, x1cb), 0.0)
        hb = jnp.maximum(jnp.minimum(y2r, y2cb) - jnp.maximum(y1r, y1cb), 0.0)
        inter_b = wb * hb
        iou_b = inter_b / (areas_r + areas_cb - inter_b + 1e-9)
        tri = (lax.broadcasted_iota(jnp.int32, (BLK, BLK), 1)
               > lax.broadcasted_iota(jnp.int32, (BLK, BLK), 0))
        s_local = jnp.where((iou_b > IOU_THRESH) & tri, 1.0, 0.0)

        m0 = mask_ref[0:1, pl.ds(base, BLK)]

        def cond(carry):
            return carry[1]

        def body(carry):
            m, _ = carry
            sup = jax.lax.dot_general(
                m, s_local, (((1,), (0,)), ((), ())),
                preferred_element_type=jnp.float32)
            m_new = jnp.where(sup > 0.0, 0.0, m0)
            return m_new, jnp.any(m_new != m)

        m_fix, _ = lax.while_loop(cond, body, (m0, jnp.bool_(True)))
        mask_ref[0:1, pl.ds(base, BLK)] = m_fix
        mask_out_ref[...] = jnp.reshape(m_fix, (BLK, 1))

        ncc = (cnt + CW - 1) // CW

        def cbody(cb, _):
            cbase = pl.multiple_of(cb * CW, CW)
            x1c = cbT_ref[0:1, pl.ds(cbase, CW)]
            y1c = cbT_ref[1:2, pl.ds(cbase, CW)]
            x2c = cbT_ref[2:3, pl.ds(cbase, CW)]
            y2c = cbT_ref[3:4, pl.ds(cbase, CW)]
            areas_c = jnp.maximum(x2c - x1c, 0.0) * jnp.maximum(y2c - y1c, 0.0)
            w = jnp.maximum(jnp.minimum(x2r, x2c) - jnp.maximum(x1r, x1c), 0.0)
            h = jnp.maximum(jnp.minimum(y2r, y2c) - jnp.maximum(y1r, y1c), 0.0)
            inter = w * h
            iou = inter / (areas_r + areas_c - inter + 1e-9)
            colidx = lax.broadcasted_iota(jnp.int32, (BLK, CW), 1) + cbase
            rowidx = lax.broadcasted_iota(jnp.int32, (BLK, CW), 0) + i * BLK
            s_bits = jnp.where((iou > IOU_THRESH) & (colidx > rowidx), 1.0, 0.0)
            sup = jax.lax.dot_general(
                m_fix, s_bits, (((1,), (0,)), ((), ())),
                preferred_element_type=jnp.float32)
            csl = pl.ds(cbase, CW)
            mask_ref[0:1, csl] = jnp.where(sup > 0.0, 0.0, mask_ref[0:1, csl])
            return 0

        lax.fori_loop(i * BLK // CW, ncc, cbody, 0)


TPW = NP // 32
CPW = TPW // 16


@functools.partial(
    pl.kernel,
    out_type=jax.ShapeDtypeStruct((5 * NP,), jnp.float32),
    mesh=_sc_mesh,
    compiler_params=pltpu.CompilerParams(needs_layout_passes=False),
    scratch_types=[
        pltpu.VMEM((TPW,), jnp.float32),
        pltpu.VMEM((TPW,), jnp.float32),
        pltpu.VMEM((TPW,), jnp.float32),
        pltpu.VMEM((TPW,), jnp.float32),
        pltpu.VMEM((TPW,), jnp.float32),
        pltpu.VMEM((NP,), jnp.float32),
        pltpu.VMEM((NP,), jnp.int32),
        pltpu.VMEM((16,), jnp.int32),
        pltpu.VMEM((NP + 16,), jnp.float32),
        pltpu.VMEM((TPW,), jnp.float32),
        pltpu.VMEM((TPW,), jnp.float32),
        pltpu.VMEM((TPW,), jnp.float32),
        pltpu.VMEM((TPW,), jnp.float32),
        pltpu.VMEM((TPW,), jnp.float32),
    ],
)
def _sc_expand(sx1_hbm, sy1_hbm, sx2_hbm, sy2_hbm, ss_hbm,
               cmask_hbm, idx_hbm, cnt_hbm, out_hbm,
               sx1_v, sy1_v, sx2_v, sy2_v, ss_v, cm_v, idx_v, cnt_v, full_v,
               o0_v, o1_v, o2_v, o3_v, o4_v):
    w = lax.axis_index("c") * 16 + lax.axis_index("s")
    strip = pl.ds(w * TPW, TPW)
    pltpu.sync_copy(sx1_hbm.at[strip], sx1_v)
    pltpu.sync_copy(sy1_hbm.at[strip], sy1_v)
    pltpu.sync_copy(sx2_hbm.at[strip], sx2_v)
    pltpu.sync_copy(sy2_hbm.at[strip], sy2_v)
    pltpu.sync_copy(ss_hbm.at[strip], ss_v)
    pltpu.sync_copy(cmask_hbm, cm_v)
    pltpu.sync_copy(idx_hbm, idx_v)
    pltpu.sync_copy(cnt_hbm, cnt_v)
    cnt = cnt_v[...][0]
    lanes = lax.iota(jnp.int32, 16)
    onef = jnp.ones((16,), jnp.float32)

    def init(k, _):
        full_v[pl.ds(k * 16, 16)] = onef
        return 0

    lax.fori_loop(0, NCHUNK, init, 0)

    nch = (cnt + 15) // 16

    def scat(k, _):
        sl = pl.ds(k * 16, 16)
        valid = (k * 16 + lanes) < cnt
        idx = jnp.where(valid, idx_v[sl], NP + 8)
        plsc.store_scatter(full_v, [idx], cm_v[sl])
        return 0

    lax.fori_loop(0, nch, scat, 0)

    for k in range(CPW):
        lsl = pl.ds(k * 16, 16)
        s = ss_v[lsl]
        m = jnp.where(s > SCORE_THRESH,
                      full_v[pl.ds(w * TPW + k * 16, 16)], 0.0)
        o0_v[lsl] = sx1_v[lsl] * m
        o1_v[lsl] = sy1_v[lsl] * m
        o2_v[lsl] = sx2_v[lsl] * m
        o3_v[lsl] = sy2_v[lsl] * m
        o4_v[lsl] = s * m

    pltpu.sync_copy(o0_v, out_hbm.at[pl.ds(w * TPW, TPW)])
    pltpu.sync_copy(o1_v, out_hbm.at[pl.ds(NP + w * TPW, TPW)])
    pltpu.sync_copy(o2_v, out_hbm.at[pl.ds(2 * NP + w * TPW, TPW)])
    pltpu.sync_copy(o3_v, out_hbm.at[pl.ds(3 * NP + w * TPW, TPW)])
    pltpu.sync_copy(o4_v, out_hbm.at[pl.ds(4 * NP + w * TPW, TPW)])


@jax.jit
def kernel(boxes, scores):
    order = jnp.argsort(-scores)
    ordp = jnp.zeros((NP,), jnp.int32).at[:N].set(order.astype(jnp.int32))
    bflat = boxes.reshape(4 * N)

    (cx1, cy1, cx2, cy2, cidx, cnt,
     sx1, sy1, sx2, sy2, ss) = _sc_compact(bflat, ordp, scores)
    cb = jnp.stack([cx1, cy1, cx2, cy2], axis=1)
    cbT = jnp.stack([cx1, cy1, cx2, cy2], axis=0)

    cmask = pl.pallas_call(
        _nms_block_kernel,
        grid_spec=pltpu.PrefetchScalarGridSpec(
            num_scalar_prefetch=1,
            grid=(NBLK,),
            in_specs=[
                pl.BlockSpec((BLK, 4), lambda i, c: (i, 0)),
                pl.BlockSpec((4, NP), lambda i, c: (0, 0)),
            ],
            out_specs=pl.BlockSpec((BLK, 1), lambda i, c: (i, 0)),
            scratch_shapes=[pltpu.VMEM((1, NP), jnp.float32)],
        ),
        out_shape=jax.ShapeDtypeStruct((NP, 1), jnp.float32),
    )(cnt, cb, cbT)

    out = _sc_expand(sx1, sy1, sx2, sy2, ss, cmask.reshape(NP), cidx, cnt)
    return out.reshape(5, NP).T[:N]

# --- scband reference (transcript-rebuilt; emitter-appended) ---
"""Pipeline reference for scband-region-predictor-66005057405359 (READ-ONLY COPY).

The authoritative reference and input builder live on the scoring server;
editing this copy changes nothing except your own understanding.
"""

import jax, jax.numpy as jnp
import numpy as np

N = 5000
IOU_THRESH = 0.2
SCORE_THRESH = 0.2


def setup_inputs(seed: int = 0) -> dict:
    key = jax.random.key(seed)
    kb, ks = jax.random.split(key)
    boxes = jax.random.uniform(kb, (N, 4), dtype=jnp.float32)
    scores = jax.random.uniform(ks, (N,), dtype=jnp.float32)
    return {"boxes": boxes, "scores": scores}


def _pairwise_iou(b):
    x1, y1, x2, y2 = b[:, 0], b[:, 1], b[:, 2], b[:, 3]
    areas = jnp.maximum(x2 - x1, 0.0) * jnp.maximum(y2 - y1, 0.0)
    xx1 = jnp.maximum(x1[:, None], x1[None, :])
    yy1 = jnp.maximum(y1[:, None], y1[None, :])
    xx2 = jnp.minimum(x2[:, None], x2[None, :])
    yy2 = jnp.minimum(y2[:, None], y2[None, :])
    w = jnp.maximum(xx2 - xx1, 0.0)
    h = jnp.maximum(yy2 - yy1, 0.0)
    inter = w * h
    union = areas[:, None] + areas[None, :] - inter
    return inter / (union + 1e-9)


def _nms_mask(boxes_sorted, n):
    iou = _pairwise_iou(boxes_sorted)
    idx = jnp.arange(n)

    def body(i, mask):
        keep_i = mask[i]
        suppress = keep_i & (iou[i] > IOU_THRESH) & (idx > i)
        return mask & (~suppress)

    return jax.lax.fori_loop(0, n, body, jnp.ones((n,), dtype=bool))


def reference(boxes, scores):
    # Faithful translation of: torchvision.ops.nms(boxes, scores, thresh_iou_nms)
    # followed by score thresholding (scores > thresh_score).
    order = jnp.argsort(-scores)
    b = jnp.take(boxes, order, axis=0)
    s = jnp.take(scores, order, axis=0)
    mask = _nms_mask(b, N)
    mask = mask & (s > SCORE_THRESH)
    m = mask.astype(b.dtype)
    boxes_out = b * m[:, None]
    scores_out = s * m
    # fixed-shape output: suppressed/filtered detections are zeroed
    return jnp.concatenate([boxes_out, scores_out[:, None]], axis=1)

if __name__ == "__main__":
    import jax
    _d = setup_inputs()
    print(jax.jit(kernel)(*tuple(_d.values())))

</pallas_src>

<mosaic_0001>
#map = affine_map<(d0, d1) -> (0)>
module attributes {stable_mosaic.version = 14 : i64} {
  func.func @_sc_compact(%arg0: i32, %arg1: i32, %arg2: memref<20000xf32, #tpu.memory_space<hbm>>, %arg3: memref<5120xi32, #tpu.memory_space<hbm>>, %arg4: memref<5000xf32, #tpu.memory_space<hbm>>, %arg5: memref<5120xf32, #tpu.memory_space<hbm>>, %arg6: memref<5120xf32, #tpu.memory_space<hbm>>, %arg7: memref<5120xf32, #tpu.memory_space<hbm>>, %arg8: memref<5120xf32, #tpu.memory_space<hbm>>, %arg9: memref<5120xi32, #tpu.memory_space<hbm>>, %arg10: memref<16xi32, #tpu.memory_space<hbm>>, %arg11: memref<5120xf32, #tpu.memory_space<hbm>>, %arg12: memref<5120xf32, #tpu.memory_space<hbm>>, %arg13: memref<5120xf32, #tpu.memory_space<hbm>>, %arg14: memref<5120xf32, #tpu.memory_space<hbm>>, %arg15: memref<5120xf32, #tpu.memory_space<hbm>>, %arg16: memref<20000xf32, #tpu.memory_space<vmem>>, %arg17: memref<5120xi32, #tpu.memory_space<vmem>>, %arg18: memref<5136xf32, #tpu.memory_space<vmem>>, %arg19: memref<5136xf32, #tpu.memory_space<vmem>>, %arg20: memref<5136xf32, #tpu.memory_space<vmem>>, %arg21: memref<5136xf32, #tpu.memory_space<vmem>>, %arg22: memref<5136xi32, #tpu.memory_space<vmem>>, %arg23: memref<16xi32, #tpu.memory_space<vmem>>, %arg24: memref<5000xf32, #tpu.memory_space<vmem>>, %arg25: memref<5120xf32, #tpu.memory_space<vmem>>, %arg26: memref<5120xf32, #tpu.memory_space<vmem>>, %arg27: memref<5120xf32, #tpu.memory_space<vmem>>, %arg28: memref<5120xf32, #tpu.memory_space<vmem>>, %arg29: memref<5120xf32, #tpu.memory_space<vmem>>, %arg30: memref<!tpu.dma_semaphore, #tpu.memory_space<semaphore_mem>>) attributes {dimension_semantics = [#tpu.dimension_semantics<core_parallel>, #tpu.dimension_semantics<subcore_parallel>], iteration_bounds = array<i64: 2, 16>, scalar_prefetch = 0 : i64, scratch_operands = 15 : i64, tpu.core_type = #tpu.core_type<sc_vector_subcore>, window_params = [{transform_indices = #map}, {transform_indices = #map}, {transform_indices = #map}, {transform_indices = #map}, {transform_indices = #map}, {transform_indices = #map}, {transform_indices = #map}, {transform_indices = #map}, {transform_indices = #map}, {transform_indices = #map}, {transform_indices = #map}, {transform_indices = #map}, {transform_indices = #map}, {transform_indices = #map}]} {
    %eq3A = arith.constant 0 : i32
    %eq3A_0 = arith.cmpi eq, %arg0, %eq3A : i32
    %eq3A_1 = arith.constant 0 : i32
    %eq3A_2 = arith.cmpi eq, %arg1, %eq3A_1 : i32
    %and3A = arith.andi %eq3A_0, %eq3A_2 : i1
    %convert_element_type3A = arith.extui %and3A : i1 to i32
    %cond3A = arith.constant 0 : i32
    %cond3A_3 = arith.cmpi ne, %convert_element_type3A, %cond3A : i32
    scf.if %cond3A_3 {
      tpu.enqueue_dma source(%arg2 : memref<20000xf32, #tpu.memory_space<hbm>>) target(%arg16 : memref<20000xf32, #tpu.memory_space<vmem>>) target_semaphore(%arg30 : memref<!tpu.dma_semaphore, #tpu.memory_space<semaphore_mem>>)
      tpu.enqueue_dma source(%arg3 : memref<5120xi32, #tpu.memory_space<hbm>>) target(%arg17 : memref<5120xi32, #tpu.memory_space<vmem>>) target_semaphore(%arg30 : memref<!tpu.dma_semaphore, #tpu.memory_space<semaphore_mem>>)
      tpu.enqueue_dma source(%arg4 : memref<5000xf32, #tpu.memory_space<hbm>>) target(%arg24 : memref<5000xf32, #tpu.memory_space<vmem>>) target_semaphore(%arg30 : memref<!tpu.dma_semaphore, #tpu.memory_space<semaphore_mem>>)
      tpu.wait_dma2 semaphore(%arg30 : memref<!tpu.dma_semaphore, #tpu.memory_space<semaphore_mem>>) src(%arg2 : memref<20000xf32, #tpu.memory_space<hbm>>) dst(%arg16 : memref<20000xf32, #tpu.memory_space<vmem>>)
      tpu.wait_dma2 semaphore(%arg30 : memref<!tpu.dma_semaphore, #tpu.memory_space<semaphore_mem>>) src(%arg3 : memref<5120xi32, #tpu.memory_space<hbm>>) dst(%arg17 : memref<5120xi32, #tpu.memory_space<vmem>>)
      tpu.wait_dma2 semaphore(%arg30 : memref<!tpu.dma_semaphore, #tpu.memory_space<semaphore_mem>>) src(%arg4 : memref<5000xf32, #tpu.memory_space<hbm>>) dst(%arg24 : memref<5000xf32, #tpu.memory_space<vmem>>)
      %iota3A = tpu.iota {dimensions = array<i32: 0>} : vector<16xi32>
      %scan3A = arith.constant 0 : i32
      %scan3A_4 = arith.constant 0 : i32
      %scan3A_5 = arith.constant 160 : i32
      %scan3A_6 = arith.addi %scan3A_4, %scan3A_5 : i32
      %scan3A_7 = arith.constant 1 : i32
      %scan3A_8 = scf.for %scan3A_49 = %scan3A_4 to %scan3A_6 step %scan3A_7 iter_args(%scan3A_50 = %scan3A) -> (i32)  : i32 {
        %mul3A = arith.constant 2 : i32
        %mul3A_51 = arith.muli %mul3A, %scan3A_49 : i32
        %add3A = arith.constant 1 : i32
        %add3A_52 = arith.addi %mul3A_51, %add3A : i32
        %mul3A_53 = arith.constant 2 : i32
        %mul3A_54 = arith.muli %mul3A_53, %scan3A_49 : i32
        %mul3A_55 = arith.constant 16 : i32
        %mul3A_56 = arith.muli %mul3A_54, %mul3A_55 : i32
        %get3A = arith.index_cast %mul3A_56 : i32 to index
        %get3A_57 = tpu.vector_load %arg17[%get3A] {strides = array<i32>} : memref<5120xi32, #tpu.memory_space<vmem>>, vector<16xi32>,
        %mul3A_58 = arith.constant 4 : i32
        %mul3A_59 = vector.broadcast %mul3A_58 : i32 to vector<16xi32>
        %mul3A_60 = arith.muli %get3A_57, %mul3A_59 : vector<16xi32>
        %gather3A = tpu.vector_load_idx %arg16[%mul3A_60] : memref<20000xf32, #tpu.memory_space<vmem>>[vector<16xi32>], vector<16xf32>,
        %add3A_61 = arith.constant 1 : i32
        %add3A_62 = vector.broadcast %add3A_61 : i32 to vector<16xi32>
        %add3A_63 = arith.addi %mul3A_60, %add3A_62 : vector<16xi32>
        %gather3A_64 = tpu.vector_load_idx %arg16[%add3A_63] : memref<20000xf32, #tpu.memory_space<vmem>>[vector<16xi32>], vector<16xf32>,
        %add3A_65 = arith.constant 2 : i32
        %add3A_66 = vector.broadcast %add3A_65 : i32 to vector<16xi32>
        %add3A_67 = arith.addi %mul3A_60, %add3A_66 : vector<16xi32>
        %gather3A_68 = tpu.vector_load_idx %arg16[%add3A_67] : memref<20000xf32, #tpu.memory_space<vmem>>[vector<16xi32>], vector<16xf32>,
        %add3A_69 = arith.constant 3 : i32
        %add3A_70 = vector.broadcast %add3A_69 : i32 to vector<16xi32>
        %add3A_71 = arith.addi %mul3A_60, %add3A_70 : vector<16xi32>
        %gather3A_72 = tpu.vector_load_idx %arg16[%add3A_71] : memref<20000xf32, #tpu.memory_space<vmem>>[vector<16xi32>], vector<16xf32>,
        %swap3A_73 = arith.index_cast %mul3A_56 : i32 to index
        %swap3A_74 = tpu.vector_load %arg25[%swap3A_73] {strides = array<i32>} : memref<5120xf32, #tpu.memory_space<vmem>>, vector<16xf32>,
        tpu.vector_store %arg25[%swap3A_73], %gather3A {strides = array<i32>} : memref<5120xf32, #tpu.memory_space<vmem>>, vector<16xf32>,
        %swap3A_75 = arith.index_cast %mul3A_56 : i32 to index
        %swap3A_76 = tpu.vector_load %arg26[%swap3A_75] {strides = array<i32>} : memref<5120xf32, #tpu.memory_space<vmem>>, vector<16xf32>,
        tpu.vector_store %arg26[%swap3A_75], %gather3A_64 {strides = array<i32>} : memref<5120xf32, #tpu.memory_space<vmem>>, vector<16xf32>,
        %swap3A_77 = arith.index_cast %mul3A_56 : i32 to index
        %swap3A_78 = tpu.vector_load %arg27[%swap3A_77] {strides = array<i32>} : memref<5120xf32, #tpu.memory_space<vmem>>, vector<16xf32>,
        tpu.vector_store %arg27[%swap3A_77], %gather3A_68 {strides = array<i32>} : memref<5120xf32, #tpu.memory_space<vmem>>, vector<16xf32>,
        %swap3A_79 = arith.index_cast %mul3A_56 : i32 to index
        %swap3A_80 = tpu.vector_load %arg28[%swap3A_79] {strides = array<i32>} : memref<5120xf32, #tpu.memory_space<vmem>>, vector<16xf32>,
        tpu.vector_store %arg28[%swap3A_79], %gather3A_72 {strides = array<i32>} : memref<5120xf32, #tpu.memory_space<vmem>>, vector<16xf32>,
        %gather3A_81 = tpu.vector_load_idx %arg24[%get3A_57] : memref<5000xf32, #tpu.memory_space<vmem>>[vector<16xi32>], vector<16xf32>,
        %swap3A_82 = arith.index_cast %mul3A_56 : i32 to index
        %swap3A_83 = tpu.vector_load %arg29[%swap3A_82] {strides = array<i32>} : memref<5120xf32, #tpu.memory_space<vmem>>, vector<16xf32>,
        tpu.vector_store %arg29[%swap3A_82], %gather3A_81 {strides = array<i32>} : memref<5120xf32, #tpu.memory_space<vmem>>, vector<16xf32>,
        %sub3A = arith.subf %gather3A_68, %gather3A : vector<16xf32>
        %max3A = arith.constant 0.000000e+00 : f32
        %max3A_84 = vector.broadcast %max3A : f32 to vector<16xf32>
        %max3A_85 = arith.maximumf %sub3A, %max3A_84 : vector<16xf32>
        %sub3A_86 = arith.subf %gather3A_72, %gather3A_64 : vector<16xf32>
        %max3A_87 = arith.constant 0.000000e+00 : f32
        %max3A_88 = vector.broadcast %max3A_87 : f32 to vector<16xf32>
        %max3A_89 = arith.maximumf %sub3A_86, %max3A_88 : vector<16xf32>
        %mul3A_90 = arith.mulf %max3A_85, %max3A_89 : vector<16xf32>
        %gt3A = arith.constant 0.000000e+00 : f32
        %gt3A_91 = vector.broadcast %gt3A : f32 to vector<16xf32>
        %gt3A_92 = arith.cmpf ogt, %mul3A_90, %gt3A_91 : vector<16xf32>
        %add3A_93 = arith.constant 16 : i32
        %add3A_94 = vector.broadcast %add3A_93 : i32 to vector<16xi32>
        %add3A_95 = arith.addi %iota3A, %add3A_94 : vector<16xi32>
        %select_n3A = arith.select %gt3A_92, %iota3A, %add3A_95 : vector<16xi1>, vector<16xi32>
        %masked_sort3A = arith.constant dense<true> : vector<16xi1>
        %masked_sort3A_96 = arith.constant -2147483648 : i32
        %masked_sort3A_97 = vector.broadcast %masked_sort3A_96 : i32 to vector<16xi32>
        %masked_sort3A_98 = arith.xori %select_n3A, %masked_sort3A_97 : vector<16xi32>
        %masked_sort3A_99, %masked_sort3A_100, %masked_sort3A_101 = tpu.sort %masked_sort3A_98, %iota3A masked %masked_sort3A : (vector<16xi32>, vector<16xi32>, vector<16xi1>) -> (vector<16xi1>, vector<16xi32>, vector<16xi32>)
        %masked_sort3A_102 = arith.xori %masked_sort3A_100, %masked_sort3A_97 : vector<16xi32>
        %mul3A_103 = arith.constant 16 : i32
        %mul3A_104 = arith.muli %mul3A_54, %mul3A_103 : i32
        %add3A_105 = vector.broadcast %mul3A_104 : i32 to vector<16xi32>
        %add3A_106 = arith.addi %add3A_105, %masked_sort3A_101 : vector<16xi32>
        %gather3A_107 = tpu.vector_load_idx %arg17[%add3A_106] : memref<5120xi32, #tpu.memory_space<vmem>>[vector<16xi32>], vector<16xi32>,
        %mul3A_108 = arith.constant 4 : i32
        %mul3A_109 = vector.broadcast %mul3A_108 : i32 to vector<16xi32>
        %mul3A_110 = arith.muli %gather3A_107, %mul3A_109 : vector<16xi32>
        %gather3A_111 = tpu.vector_load_idx %arg16[%mul3A_110] : memref<20000xf32, #tpu.memory_space<vmem>>[vector<16xi32>], vector<16xf32>,
        %swap3A_112 = arith.index_cast %scan3A_50 : i32 to index
        %swap3A_113 = tpu.vector_load %arg18[%swap3A_112] {strides = array<i32>} : memref<5136xf32, #tpu.memory_space<vmem>>, vector<16xf32>,
        tpu.vector_store %arg18[%swap3A_112], %gather3A_111 {strides = array<i32>} : memref<5136xf32, #tpu.memory_space<vmem>>, vector<16xf32>,
        %add3A_114 = arith.constant 1 : i32
        %add3A_115 = vector.broadcast %add3A_114 : i32 to vector<16xi32>
        %add3A_116 = arith.addi %mul3A_110, %add3A_115 : vector<16xi32>
        %gather3A_117 = tpu.vector_load_idx %arg16[%add3A_116] : memref<20000xf32, #tpu.memory_space<vmem>>[vector<16xi32>], vector<16xf32>,
        %swap3A_118 = arith.index_cast %scan3A_50 : i32 to index
        %swap3A_119 = tpu.vector_load %arg19[%swap3A_118] {strides = array<i32>} : memref<5136xf32, #tpu.memory_space<vmem>>, vector<16xf32>,
        tpu.vector_store %arg19[%swap3A_118], %gather3A_117 {strides = array<i32>} : memref<5136xf32, #tpu.memory_space<vmem>>, vector<16xf32>,
        %add3A_120 = arith.constant 2 : i32
        %add3A_121 = vector.broadcast %add3A_120 : i32 to vector<16xi32>
        %add3A_122 = arith.addi %mul3A_110, %add3A_121 : vector<16xi32>
        %gather3A_123 = tpu.vector_load_idx %arg16[%add3A_122] : memref<20000xf32, #tpu.memory_space<vmem>>[vector<16xi32>], vector<16xf32>,
        %swap3A_124 = arith.index_cast %scan3A_50 : i32 to index
        %swap3A_125 = tpu.vector_load %arg20[%swap3A_124] {strides = array<i32>} : memref<5136xf32, #tpu.memory_space<vmem>>, vector<16xf32>,
        tpu.vector_store %arg20[%swap3A_124], %gather3A_123 {strides = array<i32>} : memref<5136xf32, #tpu.memory_space<vmem>>, vector<16xf32>,
        %add3A_126 = arith.constant 3 : i32
        %add3A_127 = vector.broadcast %add3A_126 : i32 to vector<16xi32>
        %add3A_128 = arith.addi %mul3A_110, %add3A_127 : vector<16xi32>
        %gather3A_129 = tpu.vector_load_idx %arg16[%add3A_128] : memref<20000xf32, #tpu.memory_space<vmem>>[vector<16xi32>], vector<16xf32>,
        %swap3A_130 = arith.index_cast %scan3A_50 : i32 to index
        %swap3A_131 = tpu.vector_load %arg21[%swap3A_130] {strides = array<i32>} : memref<5136xf32, #tpu.memory_space<vmem>>, vector<16xf32>,
        tpu.vector_store %arg21[%swap3A_130], %gather3A_129 {strides = array<i32>} : memref<5136xf32, #tpu.memory_space<vmem>>, vector<16xf32>,
        %mul3A_132 = arith.constant 16 : i32
        %mul3A_133 = arith.muli %mul3A_54, %mul3A_132 : i32
        %add3A_134 = vector.broadcast %mul3A_133 : i32 to vector<16xi32>
        %add3A_135 = arith.addi %add3A_134, %masked_sort3A_101 : vector<16xi32>
        %swap3A_136 = arith.index_cast %scan3A_50 : i32 to index
        %swap3A_137 = tpu.vector_load %arg22[%swap3A_136] {strides = array<i32>} : memref<5136xi32, #tpu.memory_space<vmem>>, vector<16xi32>,
        tpu.vector_store %arg22[%swap3A_136], %add3A_135 {strides = array<i32>} : memref<5136xi32, #tpu.memory_space<vmem>>, vector<16xi32>,
        %all_reduce_population_count3A = tpu.all_reduce %gt3A_92 {dim = 0 : i64, kind = #tpu.reduction_kind<sum>} : vector<16xi1> -> vector<16xi32>
        %slice3A = vector.extract_strided_slice %all_reduce_population_count3A {offsets = [0], sizes = [1], strides = [1]} : vector<16xi32> to vector<1xi32>
        %squeeze3A = vector.extract %slice3A[0] : i32 from vector<1xi32>
        %add3A_138 = arith.addi %scan3A_50, %squeeze3A : i32
        %mul3A_139 = arith.constant 16 : i32
        %mul3A_140 = arith.muli %add3A_52, %mul3A_139 : i32
        %get3A_141 = arith.index_cast %mul3A_140 : i32 to index
        %get3A_142 = tpu.vector_load %arg17[%get3A_141] {strides = array<i32>} : memref<5120xi32, #tpu.memory_space<vmem>>, vector<16xi32>,
        %mul3A_143 = arith.constant 4 : i32
        %mul3A_144 = vector.broadcast %mul3A_143 : i32 to vector<16xi32>
        %mul3A_145 = arith.muli %get3A_142, %mul3A_144 : vector<16xi32>
        %gather3A_146 = tpu.vector_load_idx %arg16[%mul3A_145] : memref<20000xf32, #tpu.memory_space<vmem>>[vector<16xi32>], vector<16xf32>,
        %add3A_147 = arith.constant 1 : i32
        %add3A_148 = vector.broadcast %add3A_147 : i32 to vector<16xi32>
        %add3A_149 = arith.addi %mul3A_145, %add3A_148 : vector<16xi32>
        %gather3A_150 = tpu.vector_load_idx %arg16[%add3A_149] : memref<20000xf32, #tpu.memory_space<vmem>>[vector<16xi32>], vector<16xf32>,
        %add3A_151 = arith.constant 2 : i32
        %add3A_152 = vector.broadcast %add3A_151 : i32 to vector<16xi32>
        %add3A_153 = arith.addi %mul3A_145, %add3A_152 : vector<16xi32>
        %gather3A_154 = tpu.vector_load_idx %arg16[%add3A_153] : memref<20000xf32, #tpu.memory_space<vmem>>[vector<16xi32>], vector<16xf32>,
        %add3A_155 = arith.constant 3 : i32
        %add3A_156 = vector.broadcast %add3A_155 : i32 to vector<16xi32>
        %add3A_157 = arith.addi %mul3A_145, %add3A_156 : vector<16xi32>
        %gather3A_158 = tpu.vector_load_idx %arg16[%add3A_157] : memref<20000xf32, #tpu.memory_space<vmem>>[vector<16xi32>], vector<16xf32>,
        %swap3A_159 = arith.index_cast %mul3A_140 : i32 to index
        %swap3A_160 = tpu.vector_load %arg25[%swap3A_159] {strides = array<i32>} : memref<5120xf32, #tpu.memory_space<vmem>>, vector<16xf32>,
        tpu.vector_store %arg25[%swap3A_159], %gather3A_146 {strides = array<i32>} : memref<5120xf32, #tpu.memory_space<vmem>>, vector<16xf32>,
        %swap3A_161 = arith.index_cast %mul3A_140 : i32 to index
        %swap3A_162 = tpu.vector_load %arg26[%swap3A_161] {strides = array<i32>} : memref<5120xf32, #tpu.memory_space<vmem>>, vector<16xf32>,
        tpu.vector_store %arg26[%swap3A_161], %gather3A_150 {strides = array<i32>} : memref<5120xf32, #tpu.memory_space<vmem>>, vector<16xf32>,
        %swap3A_163 = arith.index_cast %mul3A_140 : i32 to index
        %swap3A_164 = tpu.vector_load %arg27[%swap3A_163] {strides = array<i32>} : memref<5120xf32, #tpu.memory_space<vmem>>, vector<16xf32>,
        tpu.vector_store %arg27[%swap3A_163], %gather3A_154 {strides = array<i32>} : memref<5120xf32, #tpu.memory_space<vmem>>, vector<16xf32>,
        %swap3A_165 = arith.index_cast %mul3A_140 : i32 to index
        %swap3A_166 = tpu.vector_load %arg28[%swap3A_165] {strides = array<i32>} : memref<5120xf32, #tpu.memory_space<vmem>>, vector<16xf32>,
        tpu.vector_store %arg28[%swap3A_165], %gather3A_158 {strides = array<i32>} : memref<5120xf32, #tpu.memory_space<vmem>>, vector<16xf32>,
        %gather3A_167 = tpu.vector_load_idx %arg24[%get3A_142] : memref<5000xf32, #tpu.memory_space<vmem>>[vector<16xi32>], vector<16xf32>,
        %swap3A_168 = arith.index_cast %mul3A_140 : i32 to index
        %swap3A_169 = tpu.vector_load %arg29[%swap3A_168] {strides = array<i32>} : memref<5120xf32, #tpu.memory_space<vmem>>, vector<16xf32>,
        tpu.vector_store %arg29[%swap3A_168], %gather3A_167 {strides = array<i32>} : memref<5120xf32, #tpu.memory_space<vmem>>, vector<16xf32>,
        %sub3A_170 = arith.subf %gather3A_154, %gather3A_146 : vector<16xf32>
        %max3A_171 = arith.constant 0.000000e+00 : f32
        %max3A_172 = vector.broadcast %max3A_171 : f32 to vector<16xf32>
        %max3A_173 = arith.maximumf %sub3A_170, %max3A_172 : vector<16xf32>
        %sub3A_174 = arith.subf %gather3A_158, %gather3A_150 : vector<16xf32>
        %max3A_175 = arith.constant 0.000000e+00 : f32
        %max3A_176 = vector.broadcast %max3A_175 : f32 to vector<16xf32>
        %max3A_177 = arith.maximumf %sub3A_174, %max3A_176 : vector<16xf32>
        %mul3A_178 = arith.mulf %max3A_173, %max3A_177 : vector<16xf32>
        %gt3A_179 = arith.constant 0.000000e+00 : f32
        %gt3A_180 = vector.broadcast %gt3A_179 : f32 to vector<16xf32>
        %gt3A_181 = arith.cmpf ogt, %mul3A_178, %gt3A_180 : vector<16xf32>
        %add3A_182 = arith.constant 16 : i32
        %add3A_183 = vector.broadcast %add3A_182 : i32 to vector<16xi32>
        %add3A_184 = arith.addi %iota3A, %add3A_183 : vector<16xi32>
        %select_n3A_185 = arith.select %gt3A_181, %iota3A, %add3A_184 : vector<16xi1>, vector<16xi32>
        %masked_sort3A_186 = arith.constant dense<true> : vector<16xi1>
        %masked_sort3A_187 = arith.constant -2147483648 : i32
        %masked_sort3A_188 = vector.broadcast %masked_sort3A_187 : i32 to vector<16xi32>
        %masked_sort3A_189 = arith.xori %select_n3A_185, %masked_sort3A_188 : vector<16xi32>
        %masked_sort3A_190, %masked_sort3A_191, %masked_sort3A_192 = tpu.sort %masked_sort3A_189, %iota3A masked %masked_sort3A_186 : (vector<16xi32>, vector<16xi32>, vector<16xi1>) -> (vector<16xi1>, vector<16xi32>, vector<16xi32>)
        %masked_sort3A_193 = arith.xori %masked_sort3A_191, %masked_sort3A_188 : vector<16xi32>
        %mul3A_194 = arith.constant 16 : i32
        %mul3A_195 = arith.muli %add3A_52, %mul3A_194 : i32
        %add3A_196 = vector.broadcast %mul3A_195 : i32 to vector<16xi32>
        %add3A_197 = arith.addi %add3A_196, %masked_sort3A_192 : vector<16xi32>
        %gather3A_198 = tpu.vector_load_idx %arg17[%add3A_197] : memref<5120xi32, #tpu.memory_space<vmem>>[vector<16xi32>], vector<16xi32>,
        %mul3A_199 = arith.constant 4 : i32
        %mul3A_200 = vector.broadcast %mul3A_199 : i32 to vector<16xi32>
        %mul3A_201 = arith.muli %gather3A_198, %mul3A_200 : vector<16xi32>
        %gather3A_202 = tpu.vector_load_idx %arg16[%mul3A_201] : memref<20000xf32, #tpu.memory_space<vmem>>[vector<16xi32>], vector<16xf32>,
        %swap3A_203 = arith.index_cast %add3A_138 : i32 to index
        %swap3A_204 = tpu.vector_load %arg18[%swap3A_203] {strides = array<i32>} : memref<5136xf32, #tpu.memory_space<vmem>>, vector<16xf32>,
        tpu.vector_store %arg18[%swap3A_203], %gather3A_202 {strides = array<i32>} : memref<5136xf32, #tpu.memory_space<vmem>>, vector<16xf32>,
        %add3A_205 = arith.constant 1 : i32
        %add3A_206 = vector.broadcast %add3A_205 : i32 to vector<16xi32>
        %add3A_207 = arith.addi %mul3A_201, %add3A_206 : vector<16xi32>
        %gather3A_208 = tpu.vector_load_idx %arg16[%add3A_207] : memref<20000xf32, #tpu.memory_space<vmem>>[vector<16xi32>], vector<16xf32>,
        %swap3A_209 = arith.index_cast %add3A_138 : i32 to index
        %swap3A_210 = tpu.vector_load %arg19[%swap3A_209] {strides = array<i32>} : memref<5136xf32, #tpu.memory_space<vmem>>, vector<16xf32>,
        tpu.vector_store %arg19[%swap3A_209], %gather3A_208 {strides = array<i32>} : memref<5136xf32, #tpu.memory_space<vmem>>, vector<16xf32>,
        %add3A_211 = arith.constant 2 : i32
        %add3A_212 = vector.broadcast %add3A_211 : i32 to vector<16xi32>
        %add3A_213 = arith.addi %mul3A_201, %add3A_212 : vector<16xi32>
        %gather3A_214 = tpu.vector_load_idx %arg16[%add3A_213] : memref<20000xf32, #tpu.memory_space<vmem>>[vector<16xi32>], vector<16xf32>,
        %swap3A_215 = arith.index_cast %add3A_138 : i32 to index
        %swap3A_216 = tpu.vector_load %arg20[%swap3A_215] {strides = array<i32>} : memref<5136xf32, #tpu.memory_space<vmem>>, vector<16xf32>,
        tpu.vector_store %arg20[%swap3A_215], %gather3A_214 {strides = array<i32>} : memref<5136xf32, #tpu.memory_space<vmem>>, vector<16xf32>,
        %add3A_217 = arith.constant 3 : i32
        %add3A_218 = vector.broadcast %add3A_217 : i32 to vector<16xi32>
        %add3A_219 = arith.addi %mul3A_201, %add3A_218 : vector<16xi32>
        %gather3A_220 = tpu.vector_load_idx %arg16[%add3A_219] : memref<20000xf32, #tpu.memory_space<vmem>>[vector<16xi32>], vector<16xf32>,
        %swap3A_221 = arith.index_cast %add3A_138 : i32 to index
        %swap3A_222 = tpu.vector_load %arg21[%swap3A_221] {strides = array<i32>} : memref<5136xf32, #tpu.memory_space<vmem>>, vector<16xf32>,
        tpu.vector_store %arg21[%swap3A_221], %gather3A_220 {strides = array<i32>} : memref<5136xf32, #tpu.memory_space<vmem>>, vector<16xf32>,
        %mul3A_223 = arith.constant 16 : i32
        %mul3A_224 = arith.muli %add3A_52, %mul3A_223 : i32
        %add3A_225 = vector.broadcast %mul3A_224 : i32 to vector<16xi32>
        %add3A_226 = arith.addi %add3A_225, %masked_sort3A_192 : vector<16xi32>
        %swap3A_227 = arith.index_cast %add3A_138 : i32 to index
        %swap3A_228 = tpu.vector_load %arg22[%swap3A_227] {strides = array<i32>} : memref<5136xi32, #tpu.memory_space<vmem>>, vector<16xi32>,
        tpu.vector_store %arg22[%swap3A_227], %add3A_226 {strides = array<i32>} : memref<5136xi32, #tpu.memory_space<vmem>>, vector<16xi32>,
        %all_reduce_population_count3A_229 = tpu.all_reduce %gt3A_181 {dim = 0 : i64, kind = #tpu.reduction_kind<sum>} : vector<16xi1> -> vector<16xi32>
        %slice3A_230 = vector.extract_strided_slice %all_reduce_population_count3A_229 {offsets = [0], sizes = [1], strides = [1]} : vector<16xi32> to vector<1xi32>
        %squeeze3A_231 = vector.extract %slice3A_230[0] : i32 from vector<1xi32>
        %add3A_232 = arith.addi %add3A_138, %squeeze3A_231 : i32
        scf.yield %add3A_232 : i32
      }
      %scan3A_9 = arith.constant 160 : i32
      %broadcast_in_dim3A = vector.broadcast %scan3A_8 : i32 to vector<16xi32>
      %swap3A = arith.constant 0 : index
      %swap3A_10 = tpu.vector_load %arg23[%swap3A] {strides = array<i32>} : memref<16xi32, #tpu.memory_space<vmem>>, vector<16xi32>,
      tpu.vector_store %arg23[%swap3A], %broadcast_in_dim3A {strides = array<i32>} : memref<16xi32, #tpu.memory_space<vmem>>, vector<16xi32>,
      %dma_start3A = arith.constant 0 : i32
      %dma_start3A_11 = tpu.memref_slice %arg18[%dma_start3A] : memref<5136xf32, #tpu.memory_space<vmem>> -> memref<5120xf32, #tpu.memory_space<vmem>>
      %dma_start3A_12 = arith.constant 0 : i32
      %dma_start3A_13 = tpu.memref_slice %arg18[%dma_start3A_12] : memref<5136xf32, #tpu.memory_space<vmem>> -> memref<5120xf32, #tpu.memory_space<vmem>>
      tpu.enqueue_dma source(%dma_start3A_13 : memref<5120xf32, #tpu.memory_space<vmem>>) target(%arg5 : memref<5120xf32, #tpu.memory_space<hbm>>) target_semaphore(%arg30 : memref<!tpu.dma_semaphore, #tpu.memory_space<semaphore_mem>>)
      %dma_start3A_14 = arith.constant 0 : i32
      %dma_start3A_15 = tpu.memref_slice %arg19[%dma_start3A_14] : memref<5136xf32, #tpu.memory_space<vmem>> -> memref<5120xf32, #tpu.memory_space<vmem>>
      %dma_start3A_16 = arith.constant 0 : i32
      %dma_start3A_17 = tpu.memref_slice %arg19[%dma_start3A_16] : memref<5136xf32, #tpu.memory_space<vmem>> -> memref<5120xf32, #tpu.memory_space<vmem>>
      tpu.enqueue_dma source(%dma_start3A_17 : memref<5120xf32, #tpu.memory_space<vmem>>) target(%arg6 : memref<5120xf32, #tpu.memory_space<hbm>>) target_semaphore(%arg30 : memref<!tpu.dma_semaphore, #tpu.memory_space<semaphore_mem>>)
      %dma_start3A_18 = arith.constant 0 : i32
      %dma_start3A_19 = tpu.memref_slice %arg20[%dma_start3A_18] : memref<5136xf32, #tpu.memory_space<vmem>> -> memref<5120xf32, #tpu.memory_space<vmem>>
      %dma_start3A_20 = arith.constant 0 : i32
      %dma_start3A_21 = tpu.memref_slice %arg20[%dma_start3A_20] : memref<5136xf32, #tpu.memory_space<vmem>> -> memref<5120xf32, #tpu.memory_space<vmem>>
      tpu.enqueue_dma source(%dma_start3A_21 : memref<5120xf32, #tpu.memory_space<vmem>>) target(%arg7 : memref<5120xf32, #tpu.memory_space<hbm>>) target_semaphore(%arg30 : memref<!tpu.dma_semaphore, #tpu.memory_space<semaphore_mem>>)
      %dma_start3A_22 = arith.constant 0 : i32
      %dma_start3A_23 = tpu.memref_slice %arg21[%dma_start3A_22] : memref<5136xf32, #tpu.memory_space<vmem>> -> memref<5120xf32, #tpu.memory_space<vmem>>
      %dma_start3A_24 = arith.constant 0 : i32
      %dma_start3A_25 = tpu.memref_slice %arg21[%dma_start3A_24] : memref<5136xf32, #tpu.memory_space<vmem>> -> memref<5120xf32, #tpu.memory_space<vmem>>
      tpu.enqueue_dma source(%dma_start3A_25 : memref<5120xf32, #tpu.memory_space<vmem>>) target(%arg8 : memref<5120xf32, #tpu.memory_space<hbm>>) target_semaphore(%arg30 : memref<!tpu.dma_semaphore, #tpu.memory_space<semaphore_mem>>)
      %dma_start3A_26 = arith.constant 0 : i32
      %dma_start3A_27 = tpu.memref_slice %arg22[%dma_start3A_26] : memref<5136xi32, #tpu.memory_space<vmem>> -> memref<5120xi32, #tpu.memory_space<vmem>>
      %dma_start3A_28 = arith.constant 0 : i32
      %dma_start3A_29 = tpu.memref_slice %arg22[%dma_start3A_28] : memref<5136xi32, #tpu.memory_space<vmem>> -> memref<5120xi32, #tpu.memory_space<vmem>>
      tpu.enqueue_dma source(%dma_start3A_29 : memref<5120xi32, #tpu.memory_space<vmem>>) target(%arg9 : memref<5120xi32, #tpu.memory_space<hbm>>) target_semaphore(%arg30 : memref<!tpu.dma_semaphore, #tpu.memory_space<semaphore_mem>>)
      tpu.enqueue_dma source(%arg23 : memref<16xi32, #tpu.memory_space<vmem>>) target(%arg10 : memref<16xi32, #tpu.memory_space<hbm>>) target_semaphore(%arg30 : memref<!tpu.dma_semaphore, #tpu.memory_space<semaphore_mem>>)
      tpu.enqueue_dma source(%arg25 : memref<5120xf32, #tpu.memory_space<vmem>>) target(%arg11 : memref<5120xf32, #tpu.memory_space<hbm>>) target_semaphore(%arg30 : memref<!tpu.dma_semaphore, #tpu.memory_space<semaphore_mem>>)
      tpu.enqueue_dma source(%arg26 : memref<5120xf32, #tpu.memory_space<vmem>>) target(%arg12 : memref<5120xf32, #tpu.memory_space<hbm>>) target_semaphore(%arg30 : memref<!tpu.dma_semaphore, #tpu.memory_space<semaphore_mem>>)
      tpu.enqueue_dma source(%arg27 : memref<5120xf32, #tpu.memory_space<vmem>>) target(%arg13 : memref<5120xf32, #tpu.memory_space<hbm>>) target_semaphore(%arg30 : memref<!tpu.dma_semaphore, #tpu.memory_space<semaphore_mem>>)
      tpu.enqueue_dma source(%arg28 : memref<5120xf32, #tpu.memory_space<vmem>>) target(%arg14 : memref<5120xf32, #tpu.memory_space<hbm>>) target_semaphore(%arg30 : memref<!tpu.dma_semaphore, #tpu.memory_space<semaphore_mem>>)
      tpu.enqueue_dma source(%arg29 : memref<5120xf32, #tpu.memory_space<vmem>>) target(%arg15 : memref<5120xf32, #tpu.memory_space<hbm>>) target_semaphore(%arg30 : memref<!tpu.dma_semaphore, #tpu.memory_space<semaphore_mem>>)
      %dma_wait3A = arith.constant 0 : i32
      %dma_wait3A_30 = tpu.memref_slice %arg18[%dma_wait3A] : memref<5136xf32, #tpu.memory_space<vmem>> -> memref<5120xf32, #tpu.memory_space<vmem>>
      %dma_wait3A_31 = arith.constant 0 : i32
      %dma_wait3A_32 = tpu.memref_slice %arg18[%dma_wait3A_31] : memref<5136xf32, #tpu.memory_space<vmem>> -> memref<5120xf32, #tpu.memory_space<vmem>>
      tpu.wait_dma2 semaphore(%arg30 : memref<!tpu.dma_semaphore, #tpu.memory_space<semaphore_mem>>) src(%dma_wait3A_32 : memref<5120xf32, #tpu.memory_space<vmem>>) dst(%arg5 : memref<5120xf32, #tpu.memory_space<hbm>>)
      %dma_wait3A_33 = arith.constant 0 : i32
      %dma_wait3A_34 = tpu.memref_slice %arg19[%dma_wait3A_33] : memref<5136xf32, #tpu.memory_space<vmem>> -> memref<5120xf32, #tpu.memory_space<vmem>>
      %dma_wait3A_35 = arith.constant 0 : i32
      %dma_wait3A_36 = tpu.memref_slice %arg19[%dma_wait3A_35] : memref<5136xf32, #tpu.memory_space<vmem>> -> memref<5120xf32, #tpu.memory_space<vmem>>
      tpu.wait_dma2 semaphore(%arg30 : memref<!tpu.dma_semaphore, #tpu.memory_space<semaphore_mem>>) src(%dma_wait3A_36 : memref<5120xf32, #tpu.memory_space<vmem>>) dst(%arg6 : memref<5120xf32, #tpu.memory_space<hbm>>)
      %dma_wait3A_37 = arith.constant 0 : i32
      %dma_wait3A_38 = tpu.memref_slice %arg20[%dma_wait3A_37] : memref<5136xf32, #tpu.memory_space<vmem>> -> memref<5120xf32, #tpu.memory_space<vmem>>
      %dma_wait3A_39 = arith.constant 0 : i32
      %dma_wait3A_40 = tpu.memref_slice %arg20[%dma_wait3A_39] : memref<5136xf32, #tpu.memory_space<vmem>> -> memref<5120xf32, #tpu.memory_space<vmem>>
      tpu.wait_dma2 semaphore(%arg30 : memref<!tpu.dma_semaphore, #tpu.memory_space<semaphore_mem>>) src(%dma_wait3A_40 : memref<5120xf32, #tpu.memory_space<vmem>>) dst(%arg7 : memref<5120xf32, #tpu.memory_space<hbm>>)
      %dma_wait3A_41 = arith.constant 0 : i32
      %dma_wait3A_42 = tpu.memref_slice %arg21[%dma_wait3A_41] : memref<5136xf32, #tpu.memory_space<vmem>> -> memref<5120xf32, #tpu.memory_space<vmem>>
      %dma_wait3A_43 = arith.constant 0 : i32
      %dma_wait3A_44 = tpu.memref_slice %arg21[%dma_wait3A_43] : memref<5136xf32, #tpu.memory_space<vmem>> -> memref<5120xf32, #tpu.memory_space<vmem>>
      tpu.wait_dma2 semaphore(%arg30 : memref<!tpu.dma_semaphore, #tpu.memory_space<semaphore_mem>>) src(%dma_wait3A_44 : memref<5120xf32, #tpu.memory_space<vmem>>) dst(%arg8 : memref<5120xf32, #tpu.memory_space<hbm>>)
      %dma_wait3A_45 = arith.constant 0 : i32
      %dma_wait3A_46 = tpu.memref_slice %arg22[%dma_wait3A_45] : memref<5136xi32, #tpu.memory_space<vmem>> -> memref<5120xi32, #tpu.memory_space<vmem>>
      %dma_wait3A_47 = arith.constant 0 : i32
      %dma_wait3A_48 = tpu.memref_slice %arg22[%dma_wait3A_47] : memref<5136xi32, #tpu.memory_space<vmem>> -> memref<5120xi32, #tpu.memory_space<vmem>>
      tpu.wait_dma2 semaphore(%arg30 : memref<!tpu.dma_semaphore, #tpu.memory_space<semaphore_mem>>) src(%dma_wait3A_48 : memref<5120xi32, #tpu.memory_space<vmem>>) dst(%arg9 : memref<5120xi32, #tpu.memory_space<hbm>>)
      tpu.wait_dma2 semaphore(%arg30 : memref<!tpu.dma_semaphore, #tpu.memory_space<semaphore_mem>>) src(%arg23 : memref<16xi32, #tpu.memory_space<vmem>>) dst(%arg10 : memref<16xi32, #tpu.memory_space<hbm>>)
      tpu.wait_dma2 semaphore(%arg30 : memref<!tpu.dma_semaphore, #tpu.memory_space<semaphore_mem>>) src(%arg25 : memref<5120xf32, #tpu.memory_space<vmem>>) dst(%arg11 : memref<5120xf32, #tpu.memory_space<hbm>>)
      tpu.wait_dma2 semaphore(%arg30 : memref<!tpu.dma_semaphore, #tpu.memory_space<semaphore_mem>>) src(%arg26 : memref<5120xf32, #tpu.memory_space<vmem>>) dst(%arg12 : memref<5120xf32, #tpu.memory_space<hbm>>)
      tpu.wait_dma2 semaphore(%arg30 : memref<!tpu.dma_semaphore, #tpu.memory_space<semaphore_mem>>) src(%arg27 : memref<5120xf32, #tpu.memory_space<vmem>>) dst(%arg13 : memref<5120xf32, #tpu.memory_space<hbm>>)
      tpu.wait_dma2 semaphore(%arg30 : memref<!tpu.dma_semaphore, #tpu.memory_space<semaphore_mem>>) src(%arg28 : memref<5120xf32, #tpu.memory_space<vmem>>) dst(%arg14 : memref<5120xf32, #tpu.memory_space<hbm>>)
      tpu.wait_dma2 semaphore(%arg30 : memref<!tpu.dma_semaphore, #tpu.memory_space<semaphore_mem>>) src(%arg29 : memref<5120xf32, #tpu.memory_space<vmem>>) dst(%arg15 : memref<5120xf32, #tpu.memory_space<hbm>>)
    } else {
    }
    return
  }
}

#map = affine_map<(d0, d1) -> (0)>
module attributes {stable_mosaic.version = 14 : i64} {
  func.func @_sc_expand(%arg0: i32, %arg1: i32, %arg2: memref<5120xf32, #tpu.memory_space<hbm>>, %arg3: memref<5120xf32, #tpu.memory_space<hbm>>, %arg4: memref<5120xf32, #tpu.memory_space<hbm>>, %arg5: memref<5120xf32, #tpu.memory_space<hbm>>, %arg6: memref<5120xf32, #tpu.memory_space<hbm>>, %arg7: memref<5120xf32, #tpu.memory_space<hbm>>, %arg8: memref<5120xi32, #tpu.memory_space<hbm>>, %arg9: memref<16xi32, #tpu.memory_space<hbm>>, %arg10: memref<25600xf32, #tpu.memory_space<hbm>>, %arg11: memref<160xf32, #tpu.memory_space<vmem>>, %arg12: memref<160xf32, #tpu.memory_space<vmem>>, %arg13: memref<160xf32, #tpu.memory_space<vmem>>, %arg14: memref<160xf32, #tpu.memory_space<vmem>>, %arg15: memref<160xf32, #tpu.memory_space<vmem>>, %arg16: memref<5120xf32, #tpu.memory_space<vmem>>, %arg17: memref<5120xi32, #tpu.memory_space<vmem>>, %arg18: memref<16xi32, #tpu.memory_space<vmem>>, %arg19: memref<5136xf32, #tpu.memory_space<vmem>>, %arg20: memref<160xf32, #tpu.memory_space<vmem>>, %arg21: memref<160xf32, #tpu.memory_space<vmem>>, %arg22: memref<160xf32, #tpu.memory_space<vmem>>, %arg23: memref<160xf32, #tpu.memory_space<vmem>>, %arg24: memref<160xf32, #tpu.memory_space<vmem>>) attributes {dimension_semantics = [#tpu.dimension_semantics<core_parallel>, #tpu.dimension_semantics<subcore_parallel>], iteration_bounds = array<i64: 2, 16>, scalar_prefetch = 0 : i64, scratch_operands = 14 : i64, tpu.core_type = #tpu.core_type<sc_vector_subcore>, window_params = [{transform_indices = #map}, {transform_indices = #map}, {transform_indices = #map}, {transform_indices = #map}, {transform_indices = #map}, {transform_indices = #map}, {transform_indices = #map}, {transform_indices = #map}, {transform_indices = #map}]} {
    %mul3A = arith.constant 16 : i32
    %mul3A_0 = arith.muli %arg0, %mul3A : i32
    %add3A = arith.addi %mul3A_0, %arg1 : i32
    %mul3A_1 = arith.constant 160 : i32
    %mul3A_2 = arith.muli %add3A, %mul3A_1 : i32
    "tpu.region"() ({
      %run_scoped3A = tpu.sem_alloc : memref<!tpu.dma_semaphore, #tpu.memory_space<semaphore_mem>>
      %dma_start3A = tpu.memref_slice %arg2[%mul3A_2] : memref<5120xf32, #tpu.memory_space<hbm>> -> memref<160xf32, #tpu.memory_space<hbm>>
      %dma_start3A_426 = tpu.memref_slice %arg2[%mul3A_2] : memref<5120xf32, #tpu.memory_space<hbm>> -> memref<160xf32, #tpu.memory_space<hbm>>
      tpu.enqueue_dma source(%dma_start3A_426 : memref<160xf32, #tpu.memory_space<hbm>>) target(%arg11 : memref<160xf32, #tpu.memory_space<vmem>>) target_semaphore(%run_scoped3A : memref<!tpu.dma_semaphore, #tpu.memory_space<semaphore_mem>>)
      %dma_wait3A = tpu.memref_slice %arg2[%mul3A_2] : memref<5120xf32, #tpu.memory_space<hbm>> -> memref<160xf32, #tpu.memory_space<hbm>>
      %dma_wait3A_427 = tpu.memref_slice %arg2[%mul3A_2] : memref<5120xf32, #tpu.memory_space<hbm>> -> memref<160xf32, #tpu.memory_space<hbm>>
      tpu.wait_dma2 semaphore(%run_scoped3A : memref<!tpu.dma_semaphore, #tpu.memory_space<semaphore_mem>>) src(%dma_wait3A_427 : memref<160xf32, #tpu.memory_space<hbm>>) dst(%arg11 : memref<160xf32, #tpu.memory_space<vmem>>)
      tpu.yield
    }) : () -> ()
    "tpu.region"() ({
      %run_scoped3A = tpu.sem_alloc : memref<!tpu.dma_semaphore, #tpu.memory_space<semaphore_mem>>
      %dma_start3A = tpu.memref_slice %arg3[%mul3A_2] : memref<5120xf32, #tpu.memory_space<hbm>> -> memref<160xf32, #tpu.memory_space<hbm>>
      %dma_start3A_426 = tpu.memref_slice %arg3[%mul3A_2] : memref<5120xf32, #tpu.memory_space<hbm>> -> memref<160xf32, #tpu.memory_space<hbm>>
      tpu.enqueue_dma source(%dma_start3A_426 : memref<160xf32, #tpu.memory_space<hbm>>) target(%arg12 : memref<160xf32, #tpu.memory_space<vmem>>) target_semaphore(%run_scoped3A : memref<!tpu.dma_semaphore, #tpu.memory_space<semaphore_mem>>)
      %dma_wait3A = tpu.memref_slice %arg3[%mul3A_2] : memref<5120xf32, #tpu.memory_space<hbm>> -> memref<160xf32, #tpu.memory_space<hbm>>
      %dma_wait3A_427 = tpu.memref_slice %arg3[%mul3A_2] : memref<5120xf32, #tpu.memory_space<hbm>> -> memref<160xf32, #tpu.memory_space<hbm>>
      tpu.wait_dma2 semaphore(%run_scoped3A : memref<!tpu.dma_semaphore, #tpu.memory_space<semaphore_mem>>) src(%dma_wait3A_427 : memref<160xf32, #tpu.memory_space<hbm>>) dst(%arg12 : memref<160xf32, #tpu.memory_space<vmem>>)
      tpu.yield
    }) : () -> ()
    "tpu.region"() ({
      %run_scoped3A = tpu.sem_alloc : memref<!tpu.dma_semaphore, #tpu.memory_space<semaphore_mem>>
      %dma_start3A = tpu.memref_slice %arg4[%mul3A_2] : memref<5120xf32, #tpu.memory_space<hbm>> -> memref<160xf32, #tpu.memory_space<hbm>>
      %dma_start3A_426 = tpu.memref_slice %arg4[%mul3A_2] : memref<5120xf32, #tpu.memory_space<hbm>> -> memref<160xf32, #tpu.memory_space<hbm>>
      tpu.enqueue_dma source(%dma_start3A_426 : memref<160xf32, #tpu.memory_space<hbm>>) target(%arg13 : memref<160xf32, #tpu.memory_space<vmem>>) target_semaphore(%run_scoped3A : memref<!tpu.dma_semaphore, #tpu.memory_space<semaphore_mem>>)
      %dma_wait3A = tpu.memref_slice %arg4[%mul3A_2] : memref<5120xf32, #tpu.memory_space<hbm>> -> memref<160xf32, #tpu.memory_space<hbm>>
      %dma_wait3A_427 = tpu.memref_slice %arg4[%mul3A_2] : memref<5120xf32, #tpu.memory_space<hbm>> -> memref<160xf32, #tpu.memory_space<hbm>>
      tpu.wait_dma2 semaphore(%run_scoped3A : memref<!tpu.dma_semaphore, #tpu.memory_space<semaphore_mem>>) src(%dma_wait3A_427 : memref<160xf32, #tpu.memory_space<hbm>>) dst(%arg13 : memref<160xf32, #tpu.memory_space<vmem>>)
      tpu.yield
    }) : () -> ()
    "tpu.region"() ({
      %run_scoped3A = tpu.sem_alloc : memref<!tpu.dma_semaphore, #tpu.memory_space<semaphore_mem>>
      %dma_start3A = tpu.memref_slice %arg5[%mul3A_2] : memref<5120xf32, #tpu.memory_space<hbm>> -> memref<160xf32, #tpu.memory_space<hbm>>
      %dma_start3A_426 = tpu.memref_slice %arg5[%mul3A_2] : memref<5120xf32, #tpu.memory_space<hbm>> -> memref<160xf32, #tpu.memory_space<hbm>>
      tpu.enqueue_dma source(%dma_start3A_426 : memref<160xf32, #tpu.memory_space<hbm>>) target(%arg14 : memref<160xf32, #tpu.memory_space<vmem>>) target_semaphore(%run_scoped3A : memref<!tpu.dma_semaphore, #tpu.memory_space<semaphore_mem>>)
      %dma_wait3A = tpu.memref_slice %arg5[%mul3A_2] : memref<5120xf32, #tpu.memory_space<hbm>> -> memref<160xf32, #tpu.memory_space<hbm>>
      %dma_wait3A_427 = tpu.memref_slice %arg5[%mul3A_2] : memref<5120xf32, #tpu.memory_space<hbm>> -> memref<160xf32, #tpu.memory_space<hbm>>
      tpu.wait_dma2 semaphore(%run_scoped3A : memref<!tpu.dma_semaphore, #tpu.memory_space<semaphore_mem>>) src(%dma_wait3A_427 : memref<160xf32, #tpu.memory_space<hbm>>) dst(%arg14 : memref<160xf32, #tpu.memory_space<vmem>>)
      tpu.yield
    }) : () -> ()
    "tpu.region"() ({
      %run_scoped3A = tpu.sem_alloc : memref<!tpu.dma_semaphore, #tpu.memory_space<semaphore_mem>>
      %dma_start3A = tpu.memref_slice %arg6[%mul3A_2] : memref<5120xf32, #tpu.memory_space<hbm>> -> memref<160xf32, #tpu.memory_space<hbm>>
      %dma_start3A_426 = tpu.memref_slice %arg6[%mul3A_2] : memref<5120xf32, #tpu.memory_space<hbm>> -> memref<160xf32, #tpu.memory_space<hbm>>
      tpu.enqueue_dma source(%dma_start3A_426 : memref<160xf32, #tpu.memory_space<hbm>>) target(%arg15 : memref<160xf32, #tpu.memory_space<vmem>>) target_semaphore(%run_scoped3A : memref<!tpu.dma_semaphore, #tpu.memory_space<semaphore_mem>>)
      %dma_wait3A = tpu.memref_slice %arg6[%mul3A_2] : memref<5120xf32, #tpu.memory_space<hbm>> -> memref<160xf32, #tpu.memory_space<hbm>>
      %dma_wait3A_427 = tpu.memref_slice %arg6[%mul3A_2] : memref<5120xf32, #tpu.memory_space<hbm>> -> memref<160xf32, #tpu.memory_space<hbm>>
      tpu.wait_dma2 semaphore(%run_scoped3A : memref<!tpu.dma_semaphore, #tpu.memory_space<semaphore_mem>>) src(%dma_wait3A_427 : memref<160xf32, #tpu.memory_space<hbm>>) dst(%arg15 : memref<160xf32, #tpu.memory_space<vmem>>)
      tpu.yield
    }) : () -> ()
    "tpu.region"() ({
      %run_scoped3A = tpu.sem_alloc : memref<!tpu.dma_semaphore, #tpu.memory_space<semaphore_mem>>
      tpu.enqueue_dma source(%arg7 : memref<5120xf32, #tpu.memory_space<hbm>>) target(%arg16 : memref<5120xf32, #tpu.memory_space<vmem>>) target_semaphore(%run_scoped3A : memref<!tpu.dma_semaphore, #tpu.memory_space<semaphore_mem>>)
      tpu.wait_dma2 semaphore(%run_scoped3A : memref<!tpu.dma_semaphore, #tpu.memory_space<semaphore_mem>>) src(%arg7 : memref<5120xf32, #tpu.memory_space<hbm>>) dst(%arg16 : memref<5120xf32, #tpu.memory_space<vmem>>)
      tpu.yield
    }) : () -> ()
    "tpu.region"() ({
      %run_scoped3A = tpu.sem_alloc : memref<!tpu.dma_semaphore, #tpu.memory_space<semaphore_mem>>
      tpu.enqueue_dma source(%arg8 : memref<5120xi32, #tpu.memory_space<hbm>>) target(%arg17 : memref<5120xi32, #tpu.memory_space<vmem>>) target_semaphore(%run_scoped3A : memref<!tpu.dma_semaphore, #tpu.memory_space<semaphore_mem>>)
      tpu.wait_dma2 semaphore(%run_scoped3A : memref<!tpu.dma_semaphore, #tpu.memory_space<semaphore_mem>>) src(%arg8 : memref<5120xi32, #tpu.memory_space<hbm>>) dst(%arg17 : memref<5120xi32, #tpu.memory_space<vmem>>)
      tpu.yield
    }) : () -> ()
    "tpu.region"() ({
      %run_scoped3A = tpu.sem_alloc : memref<!tpu.dma_semaphore, #tpu.memory_space<semaphore_mem>>
      tpu.enqueue_dma source(%arg9 : memref<16xi32, #tpu.memory_space<hbm>>) target(%arg18 : memref<16xi32, #tpu.memory_space<vmem>>) target_semaphore(%run_scoped3A : memref<!tpu.dma_semaphore, #tpu.memory_space<semaphore_mem>>)
      tpu.wait_dma2 semaphore(%run_scoped3A : memref<!tpu.dma_semaphore, #tpu.memory_space<semaphore_mem>>) src(%arg9 : memref<16xi32, #tpu.memory_space<hbm>>) dst(%arg18 : memref<16xi32, #tpu.memory_space<vmem>>)
      tpu.yield
    }) : () -> ()
    %get3A = arith.constant 0 : index
    %get3A_3 = tpu.vector_load %arg18[%get3A] {strides = array<i32>} : memref<16xi32, #tpu.memory_space<vmem>>, vector<16xi32>,
    %slice3A = vector.extract_strided_slice %get3A_3 {offsets = [0], sizes = [1], strides = [1]} : vector<16xi32> to vector<1xi32>
    %squeeze3A = vector.extract %slice3A[0] : i32 from vector<1xi32>
    %iota3A = tpu.iota {dimensions = array<i32: 0>} : vector<16xi32>
    %broadcast_in_dim3A = arith.constant 1.000000e+00 : f32
    %broadcast_in_dim3A_4 = vector.broadcast %broadcast_in_dim3A : f32 to vector<16xf32>
    %scan3A = arith.constant 0 : i32
    %scan3A_5 = arith.constant 0 : i32
    %scan3A_6 = arith.constant 320 : i32
    %scan3A_7 = arith.addi %scan3A_5, %scan3A_6 : i32
    %scan3A_8 = arith.constant 1 : i32
    %scan3A_9 = scf.for %scan3A_426 = %scan3A_5 to %scan3A_7 step %scan3A_8 iter_args(%scan3A_427 = %scan3A) -> (i32)  : i32 {
      %mul3A_428 = arith.constant 16 : i32
      %mul3A_429 = arith.muli %scan3A_426, %mul3A_428 : i32
      %swap3A_430 = arith.index_cast %mul3A_429 : i32 to index
      %swap3A_431 = tpu.vector_load %arg19[%swap3A_430] {strides = array<i32>} : memref<5136xf32, #tpu.memory_space<vmem>>, vector<16xf32>,
      tpu.vector_store %arg19[%swap3A_430], %broadcast_in_dim3A_4 {strides = array<i32>} : memref<5136xf32, #tpu.memory_space<vmem>>, vector<16xf32>,
      %scan3A_432 = arith.constant 0 : i32
      scf.yield %scan3A_432 : i32
    }
    %scan3A_10 = arith.constant 320 : i32
    %add3A_11 = arith.constant 15 : i32
    %add3A_12 = arith.addi %squeeze3A, %add3A_11 : i32
    %jit3A = arith.constant 16 : i32
    %div3A = arith.divsi %add3A_12, %jit3A : i32
    %sign3A = arith.constant 0 : i32
    %sign3A_13 = arith.cmpi sgt, %add3A_12, %sign3A : i32
    %sign3A_14 = arith.extui %sign3A_13 : i1 to i32
    %sign3A_15 = arith.constant 0 : i32
    %sign3A_16 = arith.cmpi slt, %add3A_12, %sign3A_15 : i32
    %sign3A_17 = arith.extui %sign3A_16 : i1 to i32
    %sign3A_18 = arith.subi %sign3A_14, %sign3A_17 : i32
    %sign3A_19 = arith.constant 0 : i32
    %sign3A_20 = arith.cmpi sgt, %jit3A, %sign3A_19 : i32
    %sign3A_21 = arith.extui %sign3A_20 : i1 to i32
    %sign3A_22 = arith.constant 0 : i32
    %sign3A_23 = arith.cmpi slt, %jit3A, %sign3A_22 : i32
    %sign3A_24 = arith.extui %sign3A_23 : i1 to i32
    %sign3A_25 = arith.subi %sign3A_21, %sign3A_24 : i32
    %ne3A = arith.cmpi ne, %sign3A_18, %sign3A_25 : i32
    %rem3A = arith.remsi %add3A_12, %jit3A : i32
    %ne3A_26 = arith.constant 0 : i32
    %ne3A_27 = arith.cmpi ne, %rem3A, %ne3A_26 : i32
    %and3A = arith.andi %ne3A, %ne3A_27 : i1
    %sub3A = arith.constant 1 : i32
    %sub3A_28 = arith.subi %div3A, %sub3A : i32
    %select_n3A = arith.select %and3A, %sub3A_28, %div3A : i32
    %while3A = arith.constant 0 : i32
    %while3A_29 = arith.constant 0 : i32
    %while3A_30 = arith.subi %select_n3A, %while3A : i32
    %while3A_31 = arith.addi %while3A, %while3A_30 : i32
    %while3A_32 = arith.constant 1 : i32
    %while3A_33 = arith.divsi %while3A_30, %while3A_32 : i32
    %while3A_34 = arith.muli %while3A_33, %while3A_32 : i32
    %while3A_35 = arith.addi %while3A, %while3A_34 : i32
    %while3A_36 = arith.constant 1 : i32
    %while3A_37 = scf.for %while3A_426 = %while3A to %while3A_35 step %while3A_36 iter_args(%while3A_427 = %while3A_29) -> (i32)  : i32 {
      %mul3A_428 = arith.constant 16 : i32
      %mul3A_429 = arith.muli %while3A_426, %mul3A_428 : i32
      %mul3A_430 = arith.constant 16 : i32
      %mul3A_431 = arith.muli %while3A_426, %mul3A_430 : i32
      %add3A_432 = vector.broadcast %mul3A_431 : i32 to vector<16xi32>
      %add3A_433 = arith.addi %add3A_432, %iota3A : vector<16xi32>
      %lt3A = vector.broadcast %squeeze3A : i32 to vector<16xi32>
      %lt3A_434 = arith.cmpi slt, %add3A_433, %lt3A : vector<16xi32>
      %get3A_435 = arith.index_cast %mul3A_429 : i32 to index
      %get3A_436 = tpu.vector_load %arg17[%get3A_435] {strides = array<i32>} : memref<5120xi32, #tpu.memory_space<vmem>>, vector<16xi32>,
      %jit3A_437 = arith.constant 5128 : i32
      %broadcast_in_dim3A_438 = vector.broadcast %jit3A_437 : i32 to vector<16xi32>
      %select_n3A_439 = arith.select %lt3A_434, %get3A_436, %broadcast_in_dim3A_438 : vector<16xi1>, vector<16xi32>
      %get3A_440 = arith.index_cast %mul3A_429 : i32 to index
      %get3A_441 = tpu.vector_load %arg16[%get3A_440] {strides = array<i32>} : memref<5120xf32, #tpu.memory_space<vmem>>, vector<16xf32>,
      tpu.vector_store_idx %arg19[%select_n3A_439], %get3A_441 : memref<5136xf32, #tpu.memory_space<vmem>>[vector<16xi32>], vector<16xf32>,
      %while3A_442 = arith.constant 0 : i32
      scf.yield %while3A_442 : i32
    }
    %while3A_38 = arith.constant 1 : i32
    %while3A_39 = scf.for %while3A_426 = %while3A_35 to %while3A_31 step %while3A_38 iter_args(%while3A_427 = %while3A_37) -> (i32)  : i32 {
      %mul3A_428 = arith.constant 16 : i32
      %mul3A_429 = arith.muli %while3A_426, %mul3A_428 : i32
      %mul3A_430 = arith.constant 16 : i32
      %mul3A_431 = arith.muli %while3A_426, %mul3A_430 : i32
      %add3A_432 = vector.broadcast %mul3A_431 : i32 to vector<16xi32>
      %add3A_433 = arith.addi %add3A_432, %iota3A : vector<16xi32>
      %lt3A = vector.broadcast %squeeze3A : i32 to vector<16xi32>
      %lt3A_434 = arith.cmpi slt, %add3A_433, %lt3A : vector<16xi32>
      %get3A_435 = arith.index_cast %mul3A_429 : i32 to index
      %get3A_436 = tpu.vector_load %arg17[%get3A_435] {strides = array<i32>} : memref<5120xi32, #tpu.memory_space<vmem>>, vector<16xi32>,
      %jit3A_437 = arith.constant 5128 : i32
      %broadcast_in_dim3A_438 = vector.broadcast %jit3A_437 : i32 to vector<16xi32>
      %select_n3A_439 = arith.select %lt3A_434, %get3A_436, %broadcast_in_dim3A_438 : vector<16xi1>, vector<16xi32>
      %get3A_440 = arith.index_cast %mul3A_429 : i32 to index
      %get3A_441 = tpu.vector_load %arg16[%get3A_440] {strides = array<i32>} : memref<5120xf32, #tpu.memory_space<vmem>>, vector<16xf32>,
      tpu.vector_store_idx %arg19[%select_n3A_439], %get3A_441 : memref<5136xf32, #tpu.memory_space<vmem>>[vector<16xi32>], vector<16xf32>,
      %while3A_442 = arith.constant 0 : i32
      scf.yield %while3A_442 : i32
    }
    %get3A_40 = arith.constant 0 : index
    %get3A_41 = tpu.vector_load %arg15[%get3A_40] {strides = array<i32>} : memref<160xf32, #tpu.memory_space<vmem>>, vector<16xf32>,
    %gt3A = arith.constant 2.000000e-01 : f32
    %gt3A_42 = vector.broadcast %gt3A : f32 to vector<16xf32>
    %gt3A_43 = arith.cmpf ogt, %get3A_41, %gt3A_42 : vector<16xf32>
    %mul3A_44 = arith.constant 160 : i32
    %mul3A_45 = arith.muli %add3A, %mul3A_44 : i32
    %add3A_46 = arith.constant 0 : i32
    %add3A_47 = arith.addi %mul3A_45, %add3A_46 : i32
    %get3A_48 = arith.index_cast %add3A_47 : i32 to index
    %get3A_49 = tpu.vector_load %arg19[%get3A_48] {strides = array<i32>} : memref<5136xf32, #tpu.memory_space<vmem>>, vector<16xf32>,
    %jit3A_50 = arith.constant 0.000000e+00 : f32
    %broadcast_in_dim3A_51 = vector.broadcast %jit3A_50 : f32 to vector<16xf32>
    %select_n3A_52 = arith.select %gt3A_43, %get3A_49, %broadcast_in_dim3A_51 : vector<16xi1>, vector<16xf32>
    %get3A_53 = arith.constant 0 : index
    %get3A_54 = tpu.vector_load %arg11[%get3A_53] {strides = array<i32>} : memref<160xf32, #tpu.memory_space<vmem>>, vector<16xf32>,
    %mul3A_55 = arith.mulf %get3A_54, %select_n3A_52 : vector<16xf32>
    %swap3A = arith.constant 0 : index
    %swap3A_56 = tpu.vector_load %arg20[%swap3A] {strides = array<i32>} : memref<160xf32, #tpu.memory_space<vmem>>, vector<16xf32>,
    tpu.vector_store %arg20[%swap3A], %mul3A_55 {strides = array<i32>} : memref<160xf32, #tpu.memory_space<vmem>>, vector<16xf32>,
    %get3A_57 = arith.constant 0 : index
    %get3A_58 = tpu.vector_load %arg12[%get3A_57] {strides = array<i32>} : memref<160xf32, #tpu.memory_space<vmem>>, vector<16xf32>,
    %mul3A_59 = arith.mulf %get3A_58, %select_n3A_52 : vector<16xf32>
    %swap3A_60 = arith.constant 0 : index
    %swap3A_61 = tpu.vector_load %arg21[%swap3A_60] {strides = array<i32>} : memref<160xf32, #tpu.memory_space<vmem>>, vector<16xf32>,
    tpu.vector_store %arg21[%swap3A_60], %mul3A_59 {strides = array<i32>} : memref<160xf32, #tpu.memory_space<vmem>>, vector<16xf32>,
    %get3A_62 = arith.constant 0 : index
    %get3A_63 = tpu.vector_load %arg13[%get3A_62] {strides = array<i32>} : memref<160xf32, #tpu.memory_space<vmem>>, vector<16xf32>,
    %mul3A_64 = arith.mulf %get3A_63, %select_n3A_52 : vector<16xf32>
    %swap3A_65 = arith.constant 0 : index
    %swap3A_66 = tpu.vector_load %arg22[%swap3A_65] {strides = array<i32>} : memref<160xf32, #tpu.memory_space<vmem>>, vector<16xf32>,
    tpu.vector_store %arg22[%swap3A_65], %mul3A_64 {strides = array<i32>} : memref<160xf32, #tpu.memory_space<vmem>>, vector<16xf32>,
    %get3A_67 = arith.constant 0 : index
    %get3A_68 = tpu.vector_load %arg14[%get3A_67] {strides = array<i32>} : memref<160xf32, #tpu.memory_space<vmem>>, vector<16xf32>,
    %mul3A_69 = arith.mulf %get3A_68, %select_n3A_52 : vector<16xf32>
    %swap3A_70 = arith.constant 0 : index
    %swap3A_71 = tpu.vector_load %arg23[%swap3A_70] {strides = array<i32>} : memref<160xf32, #tpu.memory_space<vmem>>, vector<16xf32>,
    tpu.vector_store %arg23[%swap3A_70], %mul3A_69 {strides = array<i32>} : memref<160xf32, #tpu.memory_space<vmem>>, vector<16xf32>,
    %mul3A_72 = arith.mulf %get3A_41, %select_n3A_52 : vector<16xf32>
    %swap3A_73 = arith.constant 0 : index
    %swap3A_74 = tpu.vector_load %arg24[%swap3A_73] {strides = array<i32>} : memref<160xf32, #tpu.memory_space<vmem>>, vector<16xf32>,
    tpu.vector_store %arg24[%swap3A_73], %mul3A_72 {strides = array<i32>} : memref<160xf32, #tpu.memory_space<vmem>>, vector<16xf32>,
    %get3A_75 = arith.constant 16 : index
    %get3A_76 = tpu.vector_load %arg15[%get3A_75] {strides = array<i32>} : memref<160xf32, #tpu.memory_space<vmem>>, vector<16xf32>,
    %gt3A_77 = arith.constant 2.000000e-01 : f32
    %gt3A_78 = vector.broadcast %gt3A_77 : f32 to vector<16xf32>
    %gt3A_79 = arith.cmpf ogt, %get3A_76, %gt3A_78 : vector<16xf32>
    %mul3A_80 = arith.constant 160 : i32
    %mul3A_81 = arith.muli %add3A, %mul3A_80 : i32
    %add3A_82 = arith.constant 16 : i32
    %add3A_83 = arith.addi %mul3A_81, %add3A_82 : i32
    %get3A_84 = arith.index_cast %add3A_83 : i32 to index
    %get3A_85 = tpu.vector_load %arg19[%get3A_84] {strides = array<i32>} : memref<5136xf32, #tpu.memory_space<vmem>>, vector<16xf32>,
    %jit3A_86 = arith.constant 0.000000e+00 : f32
    %broadcast_in_dim3A_87 = vector.broadcast %jit3A_86 : f32 to vector<16xf32>
    %select_n3A_88 = arith.select %gt3A_79, %get3A_85, %broadcast_in_dim3A_87 : vector<16xi1>, vector<16xf32>
    %get3A_89 = arith.constant 16 : index
    %get3A_90 = tpu.vector_load %arg11[%get3A_89] {strides = array<i32>} : memref<160xf32, #tpu.memory_space<vmem>>, vector<16xf32>,
    %mul3A_91 = arith.mulf %get3A_90, %select_n3A_88 : vector<16xf32>
    %swap3A_92 = arith.constant 16 : index
    %swap3A_93 = tpu.vector_load %arg20[%swap3A_92] {strides = array<i32>} : memref<160xf32, #tpu.memory_space<vmem>>, vector<16xf32>,
    tpu.vector_store %arg20[%swap3A_92], %mul3A_91 {strides = array<i32>} : memref<160xf32, #tpu.memory_space<vmem>>, vector<16xf32>,
    %get3A_94 = arith.constant 16 : index
    %get3A_95 = tpu.vector_load %arg12[%get3A_94] {strides = array<i32>} : memref<160xf32, #tpu.memory_space<vmem>>, vector<16xf32>,
    %mul3A_96 = arith.mulf %get3A_95, %select_n3A_88 : vector<16xf32>
    %swap3A_97 = arith.constant 16 : index
    %swap3A_98 = tpu.vector_load %arg21[%swap3A_97] {strides = array<i32>} : memref<160xf32, #tpu.memory_space<vmem>>, vector<16xf32>,
    tpu.vector_store %arg21[%swap3A_97], %mul3A_96 {strides = array<i32>} : memref<160xf32, #tpu.memory_space<vmem>>, vector<16xf32>,
    %get3A_99 = arith.constant 16 : index
    %get3A_100 = tpu.vector_load %arg13[%get3A_99] {strides = array<i32>} : memref<160xf32, #tpu.memory_space<vmem>>, vector<16xf32>,
    %mul3A_101 = arith.mulf %get3A_100, %select_n3A_88 : vector<16xf32>
    %swap3A_102 = arith.constant 16 : index
    %swap3A_103 = tpu.vector_load %arg22[%swap3A_102] {strides = array<i32>} : memref<160xf32, #tpu.memory_space<vmem>>, vector<16xf32>,
    tpu.vector_store %arg22[%swap3A_102], %mul3A_101 {strides = array<i32>} : memref<160xf32, #tpu.memory_space<vmem>>, vector<16xf32>,
    %get3A_104 = arith.constant 16 : index
    %get3A_105 = tpu.vector_load %arg14[%get3A_104] {strides = array<i32>} : memref<160xf32, #tpu.memory_space<vmem>>, vector<16xf32>,
    %mul3A_106 = arith.mulf %get3A_105, %select_n3A_88 : vector<16xf32>
    %swap3A_107 = arith.constant 16 : index
    %swap3A_108 = tpu.vector_load %arg23[%swap3A_107] {strides = array<i32>} : memref<160xf32, #tpu.memory_space<vmem>>, vector<16xf32>,
    tpu.vector_store %arg23[%swap3A_107], %mul3A_106 {strides = array<i32>} : memref<160xf32, #tpu.memory_space<vmem>>, vector<16xf32>,
    %mul3A_109 = arith.mulf %get3A_76, %select_n3A_88 : vector<16xf32>
    %swap3A_110 = arith.constant 16 : index
    %swap3A_111 = tpu.vector_load %arg24[%swap3A_110] {strides = array<i32>} : memref<160xf32, #tpu.memory_space<vmem>>, vector<16xf32>,
    tpu.vector_store %arg24[%swap3A_110], %mul3A_109 {strides = array<i32>} : memref<160xf32, #tpu.memory_space<vmem>>, vector<16xf32>,
    %get3A_112 = arith.constant 32 : index
    %get3A_113 = tpu.vector_load %arg15[%get3A_112] {strides = array<i32>} : memref<160xf32, #tpu.memory_space<vmem>>, vector<16xf32>,
    %gt3A_114 = arith.constant 2.000000e-01 : f32
    %gt3A_115 = vector.broadcast %gt3A_114 : f32 to vector<16xf32>
    %gt3A_116 = arith.cmpf ogt, %get3A_113, %gt3A_115 : vector<16xf32>
    %mul3A_117 = arith.constant 160 : i32
    %mul3A_118 = arith.muli %add3A, %mul3A_117 : i32
    %add3A_119 = arith.constant 32 : i32
    %add3A_120 = arith.addi %mul3A_118, %add3A_119 : i32
    %get3A_121 = arith.index_cast %add3A_120 : i32 to index
    %get3A_122 = tpu.vector_load %arg19[%get3A_121] {strides = array<i32>} : memref<5136xf32, #tpu.memory_space<vmem>>, vector<16xf32>,
    %jit3A_123 = arith.constant 0.000000e+00 : f32
    %broadcast_in_dim3A_124 = vector.broadcast %jit3A_123 : f32 to vector<16xf32>
    %select_n3A_125 = arith.select %gt3A_116, %get3A_122, %broadcast_in_dim3A_124 : vector<16xi1>, vector<16xf32>
    %get3A_126 = arith.constant 32 : index
    %get3A_127 = tpu.vector_load %arg11[%get3A_126] {strides = array<i32>} : memref<160xf32, #tpu.memory_space<vmem>>, vector<16xf32>,
    %mul3A_128 = arith.mulf %get3A_127, %select_n3A_125 : vector<16xf32>
    %swap3A_129 = arith.constant 32 : index
    %swap3A_130 = tpu.vector_load %arg20[%swap3A_129] {strides = array<i32>} : memref<160xf32, #tpu.memory_space<vmem>>, vector<16xf32>,
    tpu.vector_store %arg20[%swap3A_129], %mul3A_128 {strides = array<i32>} : memref<160xf32, #tpu.memory_space<vmem>>, vector<16xf32>,
    %get3A_131 = arith.constant 32 : index
    %get3A_132 = tpu.vector_load %arg12[%get3A_131] {strides = array<i32>} : memref<160xf32, #tpu.memory_space<vmem>>, vector<16xf32>,
    %mul3A_133 = arith.mulf %get3A_132, %select_n3A_125 : vector<16xf32>
    %swap3A_134 = arith.constant 32 : index
    %swap3A_135 = tpu.vector_load %arg21[%swap3A_134] {strides = array<i32>} : memref<160xf32, #tpu.memory_space<vmem>>, vector<16xf32>,
    tpu.vector_store %arg21[%swap3A_134], %mul3A_133 {strides = array<i32>} : memref<160xf32, #tpu.memory_space<vmem>>, vector<16xf32>,
    %get3A_136 = arith.constant 32 : index
    %get3A_137 = tpu.vector_load %arg13[%get3A_136] {strides = array<i32>} : memref<160xf32, #tpu.memory_space<vmem>>, vector<16xf32>,
    %mul3A_138 = arith.mulf %get3A_137, %select_n3A_125 : vector<16xf32>
    %swap3A_139 = arith.constant 32 : index
    %swap3A_140 = tpu.vector_load %arg22[%swap3A_139] {strides = array<i32>} : memref<160xf32, #tpu.memory_space<vmem>>, vector<16xf32>,
    tpu.vector_store %arg22[%swap3A_139], %mul3A_138 {strides = array<i32>} : memref<160xf32, #tpu.memory_space<vmem>>, vector<16xf32>,
    %get3A_141 = arith.constant 32 : index
    %get3A_142 = tpu.vector_load %arg14[%get3A_141] {strides = array<i32>} : memref<160xf32, #tpu.memory_space<vmem>>, vector<16xf32>,
    %mul3A_143 = arith.mulf %get3A_142, %select_n3A_125 : vector<16xf32>
    %swap3A_144 = arith.constant 32 : index
    %swap3A_145 = tpu.vector_load %arg23[%swap3A_144] {strides = array<i32>} : memref<160xf32, #tpu.memory_space<vmem>>, vector<16xf32>,
    tpu.vector_store %arg23[%swap3A_144], %mul3A_143 {strides = array<i32>} : memref<160xf32, #tpu.memory_space<vmem>>, vector<16xf32>,
    %mul3A_146 = arith.mulf %get3A_113, %select_n3A_125 : vector<16xf32>
    %swap3A_147 = arith.constant 32 : index
    %swap3A_148 = tpu.vector_load %arg24[%swap3A_147] {strides = array<i32>} : memref<160xf32, #tpu.memory_space<vmem>>, vector<16xf32>,
    tpu.vector_store %arg24[%swap3A_147], %mul3A_146 {strides = array<i32>} : memref<160xf32, #tpu.memory_space<vmem>>, vector<16xf32>,
    %get3A_149 = arith.constant 48 : index
    %get3A_150 = tpu.vector_load %arg15[%get3A_149] {strides = array<i32>} : memref<160xf32, #tpu.memory_space<vmem>>, vector<16xf32>,
    %gt3A_151 = arith.constant 2.000000e-01 : f32
    %gt3A_152 = vector.broadcast %gt3A_151 : f32 to vector<16xf32>
    %gt3A_153 = arith.cmpf ogt, %get3A_150, %gt3A_152 : vector<16xf32>
    %mul3A_154 = arith.constant 160 : i32
    %mul3A_155 = arith.muli %add3A, %mul3A_154 : i32
    %add3A_156 = arith.constant 48 : i32
    %add3A_157 = arith.addi %mul3A_155, %add3A_156 : i32
    %get3A_158 = arith.index_cast %add3A_157 : i32 to index
    %get3A_159 = tpu.vector_load %arg19[%get3A_158] {strides = array<i32>} : memref<5136xf32, #tpu.memory_space<vmem>>, vector<16xf32>,
    %jit3A_160 = arith.constant 0.000000e+00 : f32
    %broadcast_in_dim3A_161 = vector.broadcast %jit3A_160 : f32 to vector<16xf32>
    %select_n3A_162 = arith.select %gt3A_153, %get3A_159, %broadcast_in_dim3A_161 : vector<16xi1>, vector<16xf32>
    %get3A_163 = arith.constant 48 : index
    %get3A_164 = tpu.vector_load %arg11[%get3A_163] {strides = array<i32>} : memref<160xf32, #tpu.memory_space<vmem>>, vector<16xf32>,
    %mul3A_165 = arith.mulf %get3A_164, %select_n3A_162 : vector<16xf32>
    %swap3A_166 = arith.constant 48 : index
    %swap3A_167 = tpu.vector_load %arg20[%swap3A_166] {strides = array<i32>} : memref<160xf32, #tpu.memory_space<vmem>>, vector<16xf32>,
    tpu.vector_store %arg20[%swap3A_166], %mul3A_165 {strides = array<i32>} : memref<160xf32, #tpu.memory_space<vmem>>, vector<16xf32>,
    %get3A_168 = arith.constant 48 : index
    %get3A_169 = tpu.vector_load %arg12[%get3A_168] {strides = array<i32>} : memref<160xf32, #tpu.memory_space<vmem>>, vector<16xf32>,
    %mul3A_170 = arith.mulf %get3A_169, %select_n3A_162 : vector<16xf32>
    %swap3A_171 = arith.constant 48 : index
    %swap3A_172 = tpu.vector_load %arg21[%swap3A_171] {strides = array<i32>} : memref<160xf32, #tpu.memory_space<vmem>>, vector<16xf32>,
    tpu.vector_store %arg21[%swap3A_171], %mul3A_170 {strides = array<i32>} : memref<160xf32, #tpu.memory_space<vmem>>, vector<16xf32>,
    %get3A_173 = arith.constant 48 : index
    %get3A_174 = tpu.vector_load %arg13[%get3A_173] {strides = array<i32>} : memref<160xf32, #tpu.memory_space<vmem>>, vector<16xf32>,
    %mul3A_175 = arith.mulf %get3A_174, %select_n3A_162 : vector<16xf32>
    %swap3A_176 = arith.constant 48 : index
    %swap3A_177 = tpu.vector_load %arg22[%swap3A_176] {strides = array<i32>} : memref<160xf32, #tpu.memory_space<vmem>>, vector<16xf32>,
    tpu.vector_store %arg22[%swap3A_176], %mul3A_175 {strides = array<i32>} : memref<160xf32, #tpu.memory_space<vmem>>, vector<16xf32>,
    %get3A_178 = arith.constant 48 : index
    %get3A_179 = tpu.vector_load %arg14[%get3A_178] {strides = array<i32>} : memref<160xf32, #tpu.memory_space<vmem>>, vector<16xf32>,
    %mul3A_180 = arith.mulf %get3A_179, %select_n3A_162 : vector<16xf32>
    %swap3A_181 = arith.constant 48 : index
    %swap3A_182 = tpu.vector_load %arg23[%swap3A_181] {strides = array<i32>} : memref<160xf32, #tpu.memory_space<vmem>>, vector<16xf32>,
    tpu.vector_store %arg23[%swap3A_181], %mul3A_180 {strides = array<i32>} : memref<160xf32, #tpu.memory_space<vmem>>, vector<16xf32>,
    %mul3A_183 = arith.mulf %get3A_150, %select_n3A_162 : vector<16xf32>
    %swap3A_184 = arith.constant 48 : index
    %swap3A_185 = tpu.vector_load %arg24[%swap3A_184] {strides = array<i32>} : memref<160xf32, #tpu.memory_space<vmem>>, vector<16xf32>,
    tpu.vector_store %arg24[%swap3A_184], %mul3A_183 {strides = array<i32>} : memref<160xf32, #tpu.memory_space<vmem>>, vector<16xf32>,
    %get3A_186 = arith.constant 64 : index
    %get3A_187 = tpu.vector_load %arg15[%get3A_186] {strides = array<i32>} : memref<160xf32, #tpu.memory_space<vmem>>, vector<16xf32>,
    %gt3A_188 = arith.constant 2.000000e-01 : f32
    %gt3A_189 = vector.broadcast %gt3A_188 : f32 to vector<16xf32>
    %gt3A_190 = arith.cmpf ogt, %get3A_187, %gt3A_189 : vector<16xf32>
    %mul3A_191 = arith.constant 160 : i32
    %mul3A_192 = arith.muli %add3A, %mul3A_191 : i32
    %add3A_193 = arith.constant 64 : i32
    %add3A_194 = arith.addi %mul3A_192, %add3A_193 : i32
    %get3A_195 = arith.index_cast %add3A_194 : i32 to index
    %get3A_196 = tpu.vector_load %arg19[%get3A_195] {strides = array<i32>} : memref<5136xf32, #tpu.memory_space<vmem>>, vector<16xf32>,
    %jit3A_197 = arith.constant 0.000000e+00 : f32
    %broadcast_in_dim3A_198 = vector.broadcast %jit3A_197 : f32 to vector<16xf32>
    %select_n3A_199 = arith.select %gt3A_190, %get3A_196, %broadcast_in_dim3A_198 : vector<16xi1>, vector<16xf32>
    %get3A_200 = arith.constant 64 : index
    %get3A_201 = tpu.vector_load %arg11[%get3A_200] {strides = array<i32>} : memref<160xf32, #tpu.memory_space<vmem>>, vector<16xf32>,
    %mul3A_202 = arith.mulf %get3A_201, %select_n3A_199 : vector<16xf32>
    %swap3A_203 = arith.constant 64 : index
    %swap3A_204 = tpu.vector_load %arg20[%swap3A_203] {strides = array<i32>} : memref<160xf32, #tpu.memory_space<vmem>>, vector<16xf32>,
    tpu.vector_store %arg20[%swap3A_203], %mul3A_202 {strides = array<i32>} : memref<160xf32, #tpu.memory_space<vmem>>, vector<16xf32>,
    %get3A_205 = arith.constant 64 : index
    %get3A_206 = tpu.vector_load %arg12[%get3A_205] {strides = array<i32>} : memref<160xf32, #tpu.memory_space<vmem>>, vector<16xf32>,
    %mul3A_207 = arith.mulf %get3A_206, %select_n3A_199 : vector<16xf32>
    %swap3A_208 = arith.constant 64 : index
    %swap3A_209 = tpu.vector_load %arg21[%swap3A_208] {strides = array<i32>} : memref<160xf32, #tpu.memory_space<vmem>>, vector<16xf32>,
    tpu.vector_store %arg21[%swap3A_208], %mul3A_207 {strides = array<i32>} : memref<160xf32, #tpu.memory_space<vmem>>, vector<16xf32>,
    %get3A_210 = arith.constant 64 : index
    %get3A_211 = tpu.vector_load %arg13[%get3A_210] {strides = array<i32>} : memref<160xf32, #tpu.memory_space<vmem>>, vector<16xf32>,
    %mul3A_212 = arith.mulf %get3A_211, %select_n3A_199 : vector<16xf32>
    %swap3A_213 = arith.constant 64 : index
    %swap3A_214 = tpu.vector_load %arg22[%swap3A_213] {strides = array<i32>} : memref<160xf32, #tpu.memory_space<vmem>>, vector<16xf32>,
    tpu.vector_store %arg22[%swap3A_213], %mul3A_212 {strides = array<i32>} : memref<160xf32, #tpu.memory_space<vmem>>, vector<16xf32>,
    %get3A_215 = arith.constant 64 : index
    %get3A_216 = tpu.vector_load %arg14[%get3A_215] {strides = array<i32>} : memref<160xf32, #tpu.memory_space<vmem>>, vector<16xf32>,
    %mul3A_217 = arith.mulf %get3A_216, %select_n3A_199 : vector<16xf32>
    %swap3A_218 = arith.constant 64 : index
    %swap3A_219 = tpu.vector_load %arg23[%swap3A_218] {strides = array<i32>} : memref<160xf32, #tpu.memory_space<vmem>>, vector<16xf32>,
    tpu.vector_store %arg23[%swap3A_218], %mul3A_217 {strides = array<i32>} : memref<160xf32, #tpu.memory_space<vmem>>, vector<16xf32>,
    %mul3A_220 = arith.mulf %get3A_187, %select_n3A_199 : vector<16xf32>
    %swap3A_221 = arith.constant 64 : index
    %swap3A_222 = tpu.vector_load %arg24[%swap3A_221] {strides = array<i32>} : memref<160xf32, #tpu.memory_space<vmem>>, vector<16xf32>,
    tpu.vector_store %arg24[%swap3A_221], %mul3A_220 {strides = array<i32>} : memref<160xf32, #tpu.memory_space<vmem>>, vector<16xf32>,
    %get3A_223 = arith.constant 80 : index
    %get3A_224 = tpu.vector_load %arg15[%get3A_223] {strides = array<i32>} : memref<160xf32, #tpu.memory_space<vmem>>, vector<16xf32>,
    %gt3A_225 = arith.constant 2.000000e-01 : f32
    %gt3A_226 = vector.broadcast %gt3A_225 : f32 to vector<16xf32>
    %gt3A_227 = arith.cmpf ogt, %get3A_224, %gt3A_226 : vector<16xf32>
    %mul3A_228 = arith.constant 160 : i32
    %mul3A_229 = arith.muli %add3A, %mul3A_228 : i32
    %add3A_230 = arith.constant 80 : i32
    %add3A_231 = arith.addi %mul3A_229, %add3A_230 : i32
    %get3A_232 = arith.index_cast %add3A_231 : i32 to index
    %get3A_233 = tpu.vector_load %arg19[%get3A_232] {strides = array<i32>} : memref<5136xf32, #tpu.memory_space<vmem>>, vector<16xf32>,
    %jit3A_234 = arith.constant 0.000000e+00 : f32
    %broadcast_in_dim3A_235 = vector.broadcast %jit3A_234 : f32 to vector<16xf32>
    %select_n3A_236 = arith.select %gt3A_227, %get3A_233, %broadcast_in_dim3A_235 : vector<16xi1>, vector<16xf32>
    %get3A_237 = arith.constant 80 : index
    %get3A_238 = tpu.vector_load %arg11[%get3A_237] {strides = array<i32>} : memref<160xf32, #tpu.memory_space<vmem>>, vector<16xf32>,
    %mul3A_239 = arith.mulf %get3A_238, %select_n3A_236 : vector<16xf32>
    %swap3A_240 = arith.constant 80 : index
    %swap3A_241 = tpu.vector_load %arg20[%swap3A_240] {strides = array<i32>} : memref<160xf32, #tpu.memory_space<vmem>>, vector<16xf32>,
    tpu.vector_store %arg20[%swap3A_240], %mul3A_239 {strides = array<i32>} : memref<160xf32, #tpu.memory_space<vmem>>, vector<16xf32>,
    %get3A_242 = arith.constant 80 : index
    %get3A_243 = tpu.vector_load %arg12[%get3A_242] {strides = array<i32>} : memref<160xf32, #tpu.memory_space<vmem>>, vector<16xf32>,
    %mul3A_244 = arith.mulf %get3A_243, %select_n3A_236 : vector<16xf32>
    %swap3A_245 = arith.constant 80 : index
    %swap3A_246 = tpu.vector_load %arg21[%swap3A_245] {strides = array<i32>} : memref<160xf32, #tpu.memory_space<vmem>>, vector<16xf32>,
    tpu.vector_store %arg21[%swap3A_245], %mul3A_244 {strides = array<i32>} : memref<160xf32, #tpu.memory_space<vmem>>, vector<16xf32>,
    %get3A_247 = arith.constant 80 : index
    %get3A_248 = tpu.vector_load %arg13[%get3A_247] {strides = array<i32>} : memref<160xf32, #tpu.memory_space<vmem>>, vector<16xf32>,
    %mul3A_249 = arith.mulf %get3A_248, %select_n3A_236 : vector<16xf32>
    %swap3A_250 = arith.constant 80 : index
    %swap3A_251 = tpu.vector_load %arg22[%swap3A_250] {strides = array<i32>} : memref<160xf32, #tpu.memory_space<vmem>>, vector<16xf32>,
    tpu.vector_store %arg22[%swap3A_250], %mul3A_249 {strides = array<i32>} : memref<160xf32, #tpu.memory_space<vmem>>, vector<16xf32>,
    %get3A_252 = arith.constant 80 : index
    %get3A_253 = tpu.vector_load %arg14[%get3A_252] {strides = array<i32>} : memref<160xf32, #tpu.memory_space<vmem>>, vector<16xf32>,
    %mul3A_254 = arith.mulf %get3A_253, %select_n3A_236 : vector<16xf32>
    %swap3A_255 = arith.constant 80 : index
    %swap3A_256 = tpu.vector_load %arg23[%swap3A_255] {strides = array<i32>} : memref<160xf32, #tpu.memory_space<vmem>>, vector<16xf32>,
    tpu.vector_store %arg23[%swap3A_255], %mul3A_254 {strides = array<i32>} : memref<160xf32, #tpu.memory_space<vmem>>, vector<16xf32>,
    %mul3A_257 = arith.mulf %get3A_224, %select_n3A_236 : vector<16xf32>
    %swap3A_258 = arith.constant 80 : index
    %swap3A_259 = tpu.vector_load %arg24[%swap3A_258] {strides = array<i32>} : memref<160xf32, #tpu.memory_space<vmem>>, vector<16xf32>,
    tpu.vector_store %arg24[%swap3A_258], %mul3A_257 {strides = array<i32>} : memref<160xf32, #tpu.memory_space<vmem>>, vector<16xf32>,
    %get3A_260 = arith.constant 96 : index
    %get3A_261 = tpu.vector_load %arg15[%get3A_260] {strides = array<i32>} : memref<160xf32, #tpu.memory_space<vmem>>, vector<16xf32>,
    %gt3A_262 = arith.constant 2.000000e-01 : f32
    %gt3A_263 = vector.broadcast %gt3A_262 : f32 to vector<16xf32>
    %gt3A_264 = arith.cmpf ogt, %get3A_261, %gt3A_263 : vector<16xf32>
    %mul3A_265 = arith.constant 160 : i32
    %mul3A_266 = arith.muli %add3A, %mul3A_265 : i32
    %add3A_267 = arith.constant 96 : i32
    %add3A_268 = arith.addi %mul3A_266, %add3A_267 : i32
    %get3A_269 = arith.index_cast %add3A_268 : i32 to index
    %get3A_270 = tpu.vector_load %arg19[%get3A_269] {strides = array<i32>} : memref<5136xf32, #tpu.memory_space<vmem>>, vector<16xf32>,
    %jit3A_271 = arith.constant 0.000000e+00 : f32
    %broadcast_in_dim3A_272 = vector.broadcast %jit3A_271 : f32 to vector<16xf32>
    %select_n3A_273 = arith.select %gt3A_264, %get3A_270, %broadcast_in_dim3A_272 : vector<16xi1>, vector<16xf32>
    %get3A_274 = arith.constant 96 : index
    %get3A_275 = tpu.vector_load %arg11[%get3A_274] {strides = array<i32>} : memref<160xf32, #tpu.memory_space<vmem>>, vector<16xf32>,
    %mul3A_276 = arith.mulf %get3A_275, %select_n3A_273 : vector<16xf32>
    %swap3A_277 = arith.constant 96 : index
    %swap3A_278 = tpu.vector_load %arg20[%swap3A_277] {strides = array<i32>} : memref<160xf32, #tpu.memory_space<vmem>>, vector<16xf32>,
    tpu.vector_store %arg20[%swap3A_277], %mul3A_276 {strides = array<i32>} : memref<160xf32, #tpu.memory_space<vmem>>, vector<16xf32>,
    %get3A_279 = arith.constant 96 : index
    %get3A_280 = tpu.vector_load %arg12[%get3A_279] {strides = array<i32>} : memref<160xf32, #tpu.memory_space<vmem>>, vector<16xf32>,
    %mul3A_281 = arith.mulf %get3A_280, %select_n3A_273 : vector<16xf32>
    %swap3A_282 = arith.constant 96 : index
    %swap3A_283 = tpu.vector_load %arg21[%swap3A_282] {strides = array<i32>} : memref<160xf32, #tpu.memory_space<vmem>>, vector<16xf32>,
    tpu.vector_store %arg21[%swap3A_282], %mul3A_281 {strides = array<i32>} : memref<160xf32, #tpu.memory_space<vmem>>, vector<16xf32>,
    %get3A_284 = arith.constant 96 : index
    %get3A_285 = tpu.vector_load %arg13[%get3A_284] {strides = array<i32>} : memref<160xf32, #tpu.memory_space<vmem>>, vector<16xf32>,
    %mul3A_286 = arith.mulf %get3A_285, %select_n3A_273 : vector<16xf32>
    %swap3A_287 = arith.constant 96 : index
    %swap3A_288 = tpu.vector_load %arg22[%swap3A_287] {strides = array<i32>} : memref<160xf32, #tpu.memory_space<vmem>>, vector<16xf32>,
    tpu.vector_store %arg22[%swap3A_287], %mul3A_286 {strides = array<i32>} : memref<160xf32, #tpu.memory_space<vmem>>, vector<16xf32>,
    %get3A_289 = arith.constant 96 : index
    %get3A_290 = tpu.vector_load %arg14[%get3A_289] {strides = array<i32>} : memref<160xf32, #tpu.memory_space<vmem>>, vector<16xf32>,
    %mul3A_291 = arith.mulf %get3A_290, %select_n3A_273 : vector<16xf32>
    %swap3A_292 = arith.constant 96 : index
    %swap3A_293 = tpu.vector_load %arg23[%swap3A_292] {strides = array<i32>} : memref<160xf32, #tpu.memory_space<vmem>>, vector<16xf32>,
    tpu.vector_store %arg23[%swap3A_292], %mul3A_291 {strides = array<i32>} : memref<160xf32, #tpu.memory_space<vmem>>, vector<16xf32>,
    %mul3A_294 = arith.mulf %get3A_261, %select_n3A_273 : vector<16xf32>
    %swap3A_295 = arith.constant 96 : index
    %swap3A_296 = tpu.vector_load %arg24[%swap3A_295] {strides = array<i32>} : memref<160xf32, #tpu.memory_space<vmem>>, vector<16xf32>,
    tpu.vector_store %arg24[%swap3A_295], %mul3A_294 {strides = array<i32>} : memref<160xf32, #tpu.memory_space<vmem>>, vector<16xf32>,
    %get3A_297 = arith.constant 112 : index
    %get3A_298 = tpu.vector_load %arg15[%get3A_297] {strides = array<i32>} : memref<160xf32, #tpu.memory_space<vmem>>, vector<16xf32>,
    %gt3A_299 = arith.constant 2.000000e-01 : f32
    %gt3A_300 = vector.broadcast %gt3A_299 : f32 to vector<16xf32>
    %gt3A_301 = arith.cmpf ogt, %get3A_298, %gt3A_300 : vector<16xf32>
    %mul3A_302 = arith.constant 160 : i32
    %mul3A_303 = arith.muli %add3A, %mul3A_302 : i32
    %add3A_304 = arith.constant 112 : i32
    %add3A_305 = arith.addi %mul3A_303, %add3A_304 : i32
    %get3A_306 = arith.index_cast %add3A_305 : i32 to index
    %get3A_307 = tpu.vector_load %arg19[%get3A_306] {strides = array<i32>} : memref<5136xf32, #tpu.memory_space<vmem>>, vector<16xf32>,
    %jit3A_308 = arith.constant 0.000000e+00 : f32
    %broadcast_in_dim3A_309 = vector.broadcast %jit3A_308 : f32 to vector<16xf32>
    %select_n3A_310 = arith.select %gt3A_301, %get3A_307, %broadcast_in_dim3A_309 : vector<16xi1>, vector<16xf32>
    %get3A_311 = arith.constant 112 : index
    %get3A_312 = tpu.vector_load %arg11[%get3A_311] {strides = array<i32>} : memref<160xf32, #tpu.memory_space<vmem>>, vector<16xf32>,
    %mul3A_313 = arith.mulf %get3A_312, %select_n3A_310 : vector<16xf32>
    %swap3A_314 = arith.constant 112 : index
    %swap3A_315 = tpu.vector_load %arg20[%swap3A_314] {strides = array<i32>} : memref<160xf32, #tpu.memory_space<vmem>>, vector<16xf32>,
    tpu.vector_store %arg20[%swap3A_314], %mul3A_313 {strides = array<i32>} : memref<160xf32, #tpu.memory_space<vmem>>, vector<16xf32>,
    %get3A_316 = arith.constant 112 : index
    %get3A_317 = tpu.vector_load %arg12[%get3A_316] {strides = array<i32>} : memref<160xf32, #tpu.memory_space<vmem>>, vector<16xf32>,
    %mul3A_318 = arith.mulf %get3A_317, %select_n3A_310 : vector<16xf32>
    %swap3A_319 = arith.constant 112 : index
    %swap3A_320 = tpu.vector_load %arg21[%swap3A_319] {strides = array<i32>} : memref<160xf32, #tpu.memory_space<vmem>>, vector<16xf32>,
    tpu.vector_store %arg21[%swap3A_319], %mul3A_318 {strides = array<i32>} : memref<160xf32, #tpu.memory_space<vmem>>, vector<16xf32>,
    %get3A_321 = arith.constant 112 : index
    %get3A_322 = tpu.vector_load %arg13[%get3A_321] {strides = array<i32>} : memref<160xf32, #tpu.memory_space<vmem>>, vector<16xf32>,
    %mul3A_323 = arith.mulf %get3A_322, %select_n3A_310 : vector<16xf32>
    %swap3A_324 = arith.constant 112 : index
    %swap3A_325 = tpu.vector_load %arg22[%swap3A_324] {strides = array<i32>} : memref<160xf32, #tpu.memory_space<vmem>>, vector<16xf32>,
    tpu.vector_store %arg22[%swap3A_324], %mul3A_323 {strides = array<i32>} : memref<160xf32, #tpu.memory_space<vmem>>, vector<16xf32>,
    %get3A_326 = arith.constant 112 : index
    %get3A_327 = tpu.vector_load %arg14[%get3A_326] {strides = array<i32>} : memref<160xf32, #tpu.memory_space<vmem>>, vector<16xf32>,
    %mul3A_328 = arith.mulf %get3A_327, %select_n3A_310 : vector<16xf32>
    %swap3A_329 = arith.constant 112 : index
    %swap3A_330 = tpu.vector_load %arg23[%swap3A_329] {strides = array<i32>} : memref<160xf32, #tpu.memory_space<vmem>>, vector<16xf32>,
    tpu.vector_store %arg23[%swap3A_329], %mul3A_328 {strides = array<i32>} : memref<160xf32, #tpu.memory_space<vmem>>, vector<16xf32>,
    %mul3A_331 = arith.mulf %get3A_298, %select_n3A_310 : vector<16xf32>
    %swap3A_332 = arith.constant 112 : index
    %swap3A_333 = tpu.vector_load %arg24[%swap3A_332] {strides = array<i32>} : memref<160xf32, #tpu.memory_space<vmem>>, vector<16xf32>,
    tpu.vector_store %arg24[%swap3A_332], %mul3A_331 {strides = array<i32>} : memref<160xf32, #tpu.memory_space<vmem>>, vector<16xf32>,
    %get3A_334 = arith.constant 128 : index
    %get3A_335 = tpu.vector_load %arg15[%get3A_334] {strides = array<i32>} : memref<160xf32, #tpu.memory_space<vmem>>, vector<16xf32>,
    %gt3A_336 = arith.constant 2.000000e-01 : f32
    %gt3A_337 = vector.broadcast %gt3A_336 : f32 to vector<16xf32>
    %gt3A_338 = arith.cmpf ogt, %get3A_335, %gt3A_337 : vector<16xf32>
    %mul3A_339 = arith.constant 160 : i32
    %mul3A_340 = arith.muli %add3A, %mul3A_339 : i32
    %add3A_341 = arith.constant 128 : i32
    %add3A_342 = arith.addi %mul3A_340, %add3A_341 : i32
    %get3A_343 = arith.index_cast %add3A_342 : i32 to index
    %get3A_344 = tpu.vector_load %arg19[%get3A_343] {strides = array<i32>} : memref<5136xf32, #tpu.memory_space<vmem>>, vector<16xf32>,
    %jit3A_345 = arith.constant 0.000000e+00 : f32
    %broadcast_in_dim3A_346 = vector.broadcast %jit3A_345 : f32 to vector<16xf32>
    %select_n3A_347 = arith.select %gt3A_338, %get3A_344, %broadcast_in_dim3A_346 : vector<16xi1>, vector<16xf32>
    %get3A_348 = arith.constant 128 : index
    %get3A_349 = tpu.vector_load %arg11[%get3A_348] {strides = array<i32>} : memref<160xf32, #tpu.memory_space<vmem>>, vector<16xf32>,
    %mul3A_350 = arith.mulf %get3A_349, %select_n3A_347 : vector<16xf32>
    %swap3A_351 = arith.constant 128 : index
    %swap3A_352 = tpu.vector_load %arg20[%swap3A_351] {strides = array<i32>} : memref<160xf32, #tpu.memory_space<vmem>>, vector<16xf32>,
    tpu.vector_store %arg20[%swap3A_351], %mul3A_350 {strides = array<i32>} : memref<160xf32, #tpu.memory_space<vmem>>, vector<16xf32>,
    %get3A_353 = arith.constant 128 : index
    %get3A_354 = tpu.vector_load %arg12[%get3A_353] {strides = array<i32>} : memref<160xf32, #tpu.memory_space<vmem>>, vector<16xf32>,
    %mul3A_355 = arith.mulf %get3A_354, %select_n3A_347 : vector<16xf32>
    %swap3A_356 = arith.constant 128 : index
    %swap3A_357 = tpu.vector_load %arg21[%swap3A_356] {strides = array<i32>} : memref<160xf32, #tpu.memory_space<vmem>>, vector<16xf32>,
    tpu.vector_store %arg21[%swap3A_356], %mul3A_355 {strides = array<i32>} : memref<160xf32, #tpu.memory_space<vmem>>, vector<16xf32>,
    %get3A_358 = arith.constant 128 : index
    %get3A_359 = tpu.vector_load %arg13[%get3A_358] {strides = array<i32>} : memref<160xf32, #tpu.memory_space<vmem>>, vector<16xf32>,
    %mul3A_360 = arith.mulf %get3A_359, %select_n3A_347 : vector<16xf32>
    %swap3A_361 = arith.constant 128 : index
    %swap3A_362 = tpu.vector_load %arg22[%swap3A_361] {strides = array<i32>} : memref<160xf32, #tpu.memory_space<vmem>>, vector<16xf32>,
    tpu.vector_store %arg22[%swap3A_361], %mul3A_360 {strides = array<i32>} : memref<160xf32, #tpu.memory_space<vmem>>, vector<16xf32>,
    %get3A_363 = arith.constant 128 : index
    %get3A_364 = tpu.vector_load %arg14[%get3A_363] {strides = array<i32>} : memref<160xf32, #tpu.memory_space<vmem>>, vector<16xf32>,
    %mul3A_365 = arith.mulf %get3A_364, %select_n3A_347 : vector<16xf32>
    %swap3A_366 = arith.constant 128 : index
    %swap3A_367 = tpu.vector_load %arg23[%swap3A_366] {strides = array<i32>} : memref<160xf32, #tpu.memory_space<vmem>>, vector<16xf32>,
    tpu.vector_store %arg23[%swap3A_366], %mul3A_365 {strides = array<i32>} : memref<160xf32, #tpu.memory_space<vmem>>, vector<16xf32>,
    %mul3A_368 = arith.mulf %get3A_335, %select_n3A_347 : vector<16xf32>
    %swap3A_369 = arith.constant 128 : index
    %swap3A_370 = tpu.vector_load %arg24[%swap3A_369] {strides = array<i32>} : memref<160xf32, #tpu.memory_space<vmem>>, vector<16xf32>,
    tpu.vector_store %arg24[%swap3A_369], %mul3A_368 {strides = array<i32>} : memref<160xf32, #tpu.memory_space<vmem>>, vector<16xf32>,
    %get3A_371 = arith.constant 144 : index
    %get3A_372 = tpu.vector_load %arg15[%get3A_371] {strides = array<i32>} : memref<160xf32, #tpu.memory_space<vmem>>, vector<16xf32>,
    %gt3A_373 = arith.constant 2.000000e-01 : f32
    %gt3A_374 = vector.broadcast %gt3A_373 : f32 to vector<16xf32>
    %gt3A_375 = arith.cmpf ogt, %get3A_372, %gt3A_374 : vector<16xf32>
    %mul3A_376 = arith.constant 160 : i32
    %mul3A_377 = arith.muli %add3A, %mul3A_376 : i32
    %add3A_378 = arith.constant 144 : i32
    %add3A_379 = arith.addi %mul3A_377, %add3A_378 : i32
    %get3A_380 = arith.index_cast %add3A_379 : i32 to index
    %get3A_381 = tpu.vector_load %arg19[%get3A_380] {strides = array<i32>} : memref<5136xf32, #tpu.memory_space<vmem>>, vector<16xf32>,
    %jit3A_382 = arith.constant 0.000000e+00 : f32
    %broadcast_in_dim3A_383 = vector.broadcast %jit3A_382 : f32 to vector<16xf32>
    %select_n3A_384 = arith.select %gt3A_375, %get3A_381, %broadcast_in_dim3A_383 : vector<16xi1>, vector<16xf32>
    %get3A_385 = arith.constant 144 : index
    %get3A_386 = tpu.vector_load %arg11[%get3A_385] {strides = array<i32>} : memref<160xf32, #tpu.memory_space<vmem>>, vector<16xf32>,
    %mul3A_387 = arith.mulf %get3A_386, %select_n3A_384 : vector<16xf32>
    %swap3A_388 = arith.constant 144 : index
    %swap3A_389 = tpu.vector_load %arg20[%swap3A_388] {strides = array<i32>} : memref<160xf32, #tpu.memory_space<vmem>>, vector<16xf32>,
    tpu.vector_store %arg20[%swap3A_388], %mul3A_387 {strides = array<i32>} : memref<160xf32, #tpu.memory_space<vmem>>, vector<16xf32>,
    %get3A_390 = arith.constant 144 : index
    %get3A_391 = tpu.vector_load %arg12[%get3A_390] {strides = array<i32>} : memref<160xf32, #tpu.memory_space<vmem>>, vector<16xf32>,
    %mul3A_392 = arith.mulf %get3A_391, %select_n3A_384 : vector<16xf32>
    %swap3A_393 = arith.constant 144 : index
    %swap3A_394 = tpu.vector_load %arg21[%swap3A_393] {strides = array<i32>} : memref<160xf32, #tpu.memory_space<vmem>>, vector<16xf32>,
    tpu.vector_store %arg21[%swap3A_393], %mul3A_392 {strides = array<i32>} : memref<160xf32, #tpu.memory_space<vmem>>, vector<16xf32>,
    %get3A_395 = arith.constant 144 : index
    %get3A_396 = tpu.vector_load %arg13[%get3A_395] {strides = array<i32>} : memref<160xf32, #tpu.memory_space<vmem>>, vector<16xf32>,
    %mul3A_397 = arith.mulf %get3A_396, %select_n3A_384 : vector<16xf32>
    %swap3A_398 = arith.constant 144 : index
    %swap3A_399 = tpu.vector_load %arg22[%swap3A_398] {strides = array<i32>} : memref<160xf32, #tpu.memory_space<vmem>>, vector<16xf32>,
    tpu.vector_store %arg22[%swap3A_398], %mul3A_397 {strides = array<i32>} : memref<160xf32, #tpu.memory_space<vmem>>, vector<16xf32>,
    %get3A_400 = arith.constant 144 : index
    %get3A_401 = tpu.vector_load %arg14[%get3A_400] {strides = array<i32>} : memref<160xf32, #tpu.memory_space<vmem>>, vector<16xf32>,
    %mul3A_402 = arith.mulf %get3A_401, %select_n3A_384 : vector<16xf32>
    %swap3A_403 = arith.constant 144 : index
    %swap3A_404 = tpu.vector_load %arg23[%swap3A_403] {strides = array<i32>} : memref<160xf32, #tpu.memory_space<vmem>>, vector<16xf32>,
    tpu.vector_store %arg23[%swap3A_403], %mul3A_402 {strides = array<i32>} : memref<160xf32, #tpu.memory_space<vmem>>, vector<16xf32>,
    %mul3A_405 = arith.mulf %get3A_372, %select_n3A_384 : vector<16xf32>
    %swap3A_406 = arith.constant 144 : index
    %swap3A_407 = tpu.vector_load %arg24[%swap3A_406] {strides = array<i32>} : memref<160xf32, #tpu.memory_space<vmem>>, vector<16xf32>,
    tpu.vector_store %arg24[%swap3A_406], %mul3A_405 {strides = array<i32>} : memref<160xf32, #tpu.memory_space<vmem>>, vector<16xf32>,
    %mul3A_408 = arith.constant 160 : i32
    %mul3A_409 = arith.muli %add3A, %mul3A_408 : i32
    "tpu.region"() ({
      %run_scoped3A = tpu.sem_alloc : memref<!tpu.dma_semaphore, #tpu.memory_space<semaphore_mem>>
      %dma_start3A = tpu.memref_slice %arg10[%mul3A_409] : memref<25600xf32, #tpu.memory_space<hbm>> -> memref<160xf32, #tpu.memory_space<hbm>>
      %dma_start3A_426 = tpu.memref_slice %arg10[%mul3A_409] : memref<25600xf32, #tpu.memory_space<hbm>> -> memref<160xf32, #tpu.memory_space<hbm>>
      tpu.enqueue_dma source(%arg20 : memref<160xf32, #tpu.memory_space<vmem>>) target(%dma_start3A_426 : memref<160xf32, #tpu.memory_space<hbm>>) target_semaphore(%run_scoped3A : memref<!tpu.dma_semaphore, #tpu.memory_space<semaphore_mem>>)
      %dma_wait3A = tpu.memref_slice %arg10[%mul3A_409] : memref<25600xf32, #tpu.memory_space<hbm>> -> memref<160xf32, #tpu.memory_space<hbm>>
      %dma_wait3A_427 = tpu.memref_slice %arg10[%mul3A_409] : memref<25600xf32, #tpu.memory_space<hbm>> -> memref<160xf32, #tpu.memory_space<hbm>>
      tpu.wait_dma2 semaphore(%run_scoped3A : memref<!tpu.dma_semaphore, #tpu.memory_space<semaphore_mem>>) src(%arg20 : memref<160xf32, #tpu.memory_space<vmem>>) dst(%dma_wait3A_427 : memref<160xf32, #tpu.memory_space<hbm>>)
      tpu.yield
    }) : () -> ()
    %mul3A_410 = arith.constant 160 : i32
    %mul3A_411 = arith.muli %add3A, %mul3A_410 : i32
    %add3A_412 = arith.constant 5120 : i32
    %add3A_413 = arith.addi %add3A_412, %mul3A_411 : i32
    "tpu.region"() ({
      %run_scoped3A = tpu.sem_alloc : memref<!tpu.dma_semaphore, #tpu.memory_space<semaphore_mem>>
      %dma_start3A = tpu.memref_slice %arg10[%add3A_413] : memref<25600xf32, #tpu.memory_space<hbm>> -> memref<160xf32, #tpu.memory_space<hbm>>
      %dma_start3A_426 = tpu.memref_slice %arg10[%add3A_413] : memref<25600xf32, #tpu.memory_space<hbm>> -> memref<160xf32, #tpu.memory_space<hbm>>
      tpu.enqueue_dma source(%arg21 : memref<160xf32, #tpu.memory_space<vmem>>) target(%dma_start3A_426 : memref<160xf32, #tpu.memory_space<hbm>>) target_semaphore(%run_scoped3A : memref<!tpu.dma_semaphore, #tpu.memory_space<semaphore_mem>>)
      %dma_wait3A = tpu.memref_slice %arg10[%add3A_413] : memref<25600xf32, #tpu.memory_space<hbm>> -> memref<160xf32, #tpu.memory_space<hbm>>
      %dma_wait3A_427 = tpu.memref_slice %arg10[%add3A_413] : memref<25600xf32, #tpu.memory_space<hbm>> -> memref<160xf32, #tpu.memory_space<hbm>>
      tpu.wait_dma2 semaphore(%run_scoped3A : memref<!tpu.dma_semaphore, #tpu.memory_space<semaphore_mem>>) src(%arg21 : memref<160xf32, #tpu.memory_space<vmem>>) dst(%dma_wait3A_427 : memref<160xf32, #tpu.memory_space<hbm>>)
      tpu.yield
    }) : () -> ()
    %mul3A_414 = arith.constant 160 : i32
    %mul3A_415 = arith.muli %add3A, %mul3A_414 : i32
    %add3A_416 = arith.constant 10240 : i32
    %add3A_417 = arith.addi %add3A_416, %mul3A_415 : i32
    "tpu.region"() ({
      %run_scoped3A = tpu.sem_alloc : memref<!tpu.dma_semaphore, #tpu.memory_space<semaphore_mem>>
      %dma_start3A = tpu.memref_slice %arg10[%add3A_417] : memref<25600xf32, #tpu.memory_space<hbm>> -> memref<160xf32, #tpu.memory_space<hbm>>
      %dma_start3A_426 = tpu.memref_slice %arg10[%add3A_417] : memref<25600xf32, #tpu.memory_space<hbm>> -> memref<160xf32, #tpu.memory_space<hbm>>
      tpu.enqueue_dma source(%arg22 : memref<160xf32, #tpu.memory_space<vmem>>) target(%dma_start3A_426 : memref<160xf32, #tpu.memory_space<hbm>>) target_semaphore(%run_scoped3A : memref<!tpu.dma_semaphore, #tpu.memory_space<semaphore_mem>>)
      %dma_wait3A = tpu.memref_slice %arg10[%add3A_417] : memref<25600xf32, #tpu.memory_space<hbm>> -> memref<160xf32, #tpu.memory_space<hbm>>
      %dma_wait3A_427 = tpu.memref_slice %arg10[%add3A_417] : memref<25600xf32, #tpu.memory_space<hbm>> -> memref<160xf32, #tpu.memory_space<hbm>>
      tpu.wait_dma2 semaphore(%run_scoped3A : memref<!tpu.dma_semaphore, #tpu.memory_space<semaphore_mem>>) src(%arg22 : memref<160xf32, #tpu.memory_space<vmem>>) dst(%dma_wait3A_427 : memref<160xf32, #tpu.memory_space<hbm>>)
      tpu.yield
    }) : () -> ()
    %mul3A_418 = arith.constant 160 : i32
    %mul3A_419 = arith.muli %add3A, %mul3A_418 : i32
    %add3A_420 = arith.constant 15360 : i32
    %add3A_421 = arith.addi %add3A_420, %mul3A_419 : i32
    "tpu.region"() ({
      %run_scoped3A = tpu.sem_alloc : memref<!tpu.dma_semaphore, #tpu.memory_space<semaphore_mem>>
      %dma_start3A = tpu.memref_slice %arg10[%add3A_421] : memref<25600xf32, #tpu.memory_space<hbm>> -> memref<160xf32, #tpu.memory_space<hbm>>
      %dma_start3A_426 = tpu.memref_slice %arg10[%add3A_421] : memref<25600xf32, #tpu.memory_space<hbm>> -> memref<160xf32, #tpu.memory_space<hbm>>
      tpu.enqueue_dma source(%arg23 : memref<160xf32, #tpu.memory_space<vmem>>) target(%dma_start3A_426 : memref<160xf32, #tpu.memory_space<hbm>>) target_semaphore(%run_scoped3A : memref<!tpu.dma_semaphore, #tpu.memory_space<semaphore_mem>>)
      %dma_wait3A = tpu.memref_slice %arg10[%add3A_421] : memref<25600xf32, #tpu.memory_space<hbm>> -> memref<160xf32, #tpu.memory_space<hbm>>
      %dma_wait3A_427 = tpu.memref_slice %arg10[%add3A_421] : memref<25600xf32, #tpu.memory_space<hbm>> -> memref<160xf32, #tpu.memory_space<hbm>>
      tpu.wait_dma2 semaphore(%run_scoped3A : memref<!tpu.dma_semaphore, #tpu.memory_space<semaphore_mem>>) src(%arg23 : memref<160xf32, #tpu.memory_space<vmem>>) dst(%dma_wait3A_427 : memref<160xf32, #tpu.memory_space<hbm>>)
      tpu.yield
    }) : () -> ()
    %mul3A_422 = arith.constant 160 : i32
    %mul3A_423 = arith.muli %add3A, %mul3A_422 : i32
    %add3A_424 = arith.constant 20480 : i32
    %add3A_425 = arith.addi %add3A_424, %mul3A_423 : i32
    "tpu.region"() ({
      %run_scoped3A = tpu.sem_alloc : memref<!tpu.dma_semaphore, #tpu.memory_space<semaphore_mem>>
      %dma_start3A = tpu.memref_slice %arg10[%add3A_425] : memref<25600xf32, #tpu.memory_space<hbm>> -> memref<160xf32, #tpu.memory_space<hbm>>
      %dma_start3A_426 = tpu.memref_slice %arg10[%add3A_425] : memref<25600xf32, #tpu.memory_space<hbm>> -> memref<160xf32, #tpu.memory_space<hbm>>
      tpu.enqueue_dma source(%arg24 : memref<160xf32, #tpu.memory_space<vmem>>) target(%dma_start3A_426 : memref<160xf32, #tpu.memory_space<hbm>>) target_semaphore(%run_scoped3A : memref<!tpu.dma_semaphore, #tpu.memory_space<semaphore_mem>>)
      %dma_wait3A = tpu.memref_slice %arg10[%add3A_425] : memref<25600xf32, #tpu.memory_space<hbm>> -> memref<160xf32, #tpu.memory_space<hbm>>
      %dma_wait3A_427 = tpu.memref_slice %arg10[%add3A_425] : memref<25600xf32, #tpu.memory_space<hbm>> -> memref<160xf32, #tpu.memory_space<hbm>>
      tpu.wait_dma2 semaphore(%run_scoped3A : memref<!tpu.dma_semaphore, #tpu.memory_space<semaphore_mem>>) src(%arg24 : memref<160xf32, #tpu.memory_space<vmem>>) dst(%dma_wait3A_427 : memref<160xf32, #tpu.memory_space<hbm>>)
      tpu.yield
    }) : () -> ()
    return
  }
}

module attributes {stable_mosaic.version = 14 : i64} {
  func.func @_nms_block_kernel(%arg0: i32, %arg1: memref<16xi32, #tpu.memory_space<smem>>, %arg2: memref<512x4xf32, #tpu.memory_space<vmem>>, %arg3: memref<4x5120xf32, #tpu.memory_space<vmem>>, %arg4: memref<512x1xf32, #tpu.memory_space<vmem>>, %arg5: memref<1x5120xf32, #tpu.memory_space<vmem>>) attributes {dimension_semantics = [#tpu.dimension_semantics<arbitrary>], iteration_bounds = array<i64: 10>, scalar_prefetch = 1 : i64, scratch_operands = 1 : i64, tpu.core_type = #tpu.core_type<tc>, window_params = [{transform_indices = @transform_0, window_bounds = array<i64: 512, 4>}, {pipeline_mode = #tpu.pipeline_mode<synchronous>, transform_indices = @transform_1, window_bounds = array<i64: 4, 5120>}, {transform_indices = @transform_2, window_bounds = array<i64: 512, 1>}]} {
    %eq3A = arith.constant 0 : i32
    %eq3A_0 = arith.cmpi eq, %arg0, %eq3A : i32
    %convert_element_type3A = arith.extui %eq3A_0 : i1 to i32
    %cond3A = arith.constant 0 : i32
    %cond3A_1 = arith.cmpi ne, %convert_element_type3A, %cond3A : i32
    scf.if %cond3A_1 {
      %broadcast_in_dim3A = arith.constant 1.000000e+00 : f32
      %broadcast_in_dim3A_7 = vector.broadcast %broadcast_in_dim3A : f32 to vector<1x5120xf32>
      %swap3A = arith.constant 0 : index
      %swap3A_8 = arith.constant 0 : index
      %swap3A_9 = vector.load %arg5[%swap3A, %swap3A_8] : memref<1x5120xf32, #tpu.memory_space<vmem>>, vector<1x5120xf32>
      tpu.vector_store %arg5[%swap3A, %swap3A_8], %broadcast_in_dim3A_7 {strides = array<i32>} : memref<1x5120xf32, #tpu.memory_space<vmem>>, vector<1x5120xf32>,
    } else {
    }
    %get3A = arith.constant 0 : index
    %get3A_2 = memref.load %arg1[%get3A] : memref<16xi32, #tpu.memory_space<smem>>
    %mul3A = arith.constant 512 : i32
    %mul3A_3 = arith.muli %arg0, %mul3A : i32
    %lt3A = arith.cmpi slt, %mul3A_3, %get3A_2 : i32
    %convert_element_type3A_4 = arith.extui %lt3A : i1 to i32
    %cond3A_5 = arith.constant 0 : i32
    %cond3A_6 = arith.cmpi ne, %convert_element_type3A_4, %cond3A_5 : i32
    scf.if %cond3A_6 {
      %get3A_7 = arith.constant 0 : index
      %get3A_8 = arith.constant 0 : index
      %get3A_9 = vector.load %arg2[%get3A_7, %get3A_8] : memref<512x4xf32, #tpu.memory_space<vmem>>, vector<512x1xf32>
      %get3A_10 = arith.constant 0 : index
      %get3A_11 = arith.constant 1 : index
      %get3A_12 = vector.load %arg2[%get3A_10, %get3A_11] : memref<512x4xf32, #tpu.memory_space<vmem>>, vector<512x1xf32>
      %get3A_13 = arith.constant 0 : index
      %get3A_14 = arith.constant 2 : index
      %get3A_15 = vector.load %arg2[%get3A_13, %get3A_14] : memref<512x4xf32, #tpu.memory_space<vmem>>, vector<512x1xf32>
      %get3A_16 = arith.constant 0 : index
      %get3A_17 = arith.constant 3 : index
      %get3A_18 = vector.load %arg2[%get3A_16, %get3A_17] : memref<512x4xf32, #tpu.memory_space<vmem>>, vector<512x1xf32>
      %sub3A = arith.subf %get3A_15, %get3A_9 : vector<512x1xf32>
      %max3A = arith.constant 0.000000e+00 : f32
      %max3A_19 = vector.broadcast %max3A : f32 to vector<512x1xf32>
      %max3A_20 = arith.maximumf %sub3A, %max3A_19 : vector<512x1xf32>
      %sub3A_21 = arith.subf %get3A_18, %get3A_12 : vector<512x1xf32>
      %max3A_22 = arith.constant 0.000000e+00 : f32
      %max3A_23 = vector.broadcast %max3A_22 : f32 to vector<512x1xf32>
      %max3A_24 = arith.maximumf %sub3A_21, %max3A_23 : vector<512x1xf32>
      %mul3A_25 = arith.mulf %max3A_20, %max3A_24 : vector<512x1xf32>
      %mul3A_26 = arith.constant 512 : i32
      %mul3A_27 = arith.muli %arg0, %mul3A_26 : i32
      %multiple_of3A = tpu.assume_multiple %mul3A_27, 512 : i32
      %get3A_28 = arith.constant 0 : index
      %get3A_29 = arith.index_cast %multiple_of3A : i32 to index
      %get3A_30 = vector.load %arg3[%get3A_28, %get3A_29] : memref<4x5120xf32, #tpu.memory_space<vmem>>, vector<1x512xf32>
      %get3A_31 = arith.constant 1 : index
      %get3A_32 = arith.index_cast %multiple_of3A : i32 to index
      %get3A_33 = vector.load %arg3[%get3A_31, %get3A_32] : memref<4x5120xf32, #tpu.memory_space<vmem>>, vector<1x512xf32>
      %get3A_34 = arith.constant 2 : index
      %get3A_35 = arith.index_cast %multiple_of3A : i32 to index
      %get3A_36 = vector.load %arg3[%get3A_34, %get3A_35] : memref<4x5120xf32, #tpu.memory_space<vmem>>, vector<1x512xf32>
      %get3A_37 = arith.constant 3 : index
      %get3A_38 = arith.index_cast %multiple_of3A : i32 to index
      %get3A_39 = vector.load %arg3[%get3A_37, %get3A_38] : memref<4x5120xf32, #tpu.memory_space<vmem>>, vector<1x512xf32>
      %sub3A_40 = arith.subf %get3A_36, %get3A_30 : vector<1x512xf32>
      %max3A_41 = arith.constant 0.000000e+00 : f32
      %max3A_42 = vector.broadcast %max3A_41 : f32 to vector<1x512xf32>
      %max3A_43 = arith.maximumf %sub3A_40, %max3A_42 : vector<1x512xf32>
      %sub3A_44 = arith.subf %get3A_39, %get3A_33 : vector<1x512xf32>
      %max3A_45 = arith.constant 0.000000e+00 : f32
      %max3A_46 = vector.broadcast %max3A_45 : f32 to vector<1x512xf32>
      %max3A_47 = arith.maximumf %sub3A_44, %max3A_46 : vector<1x512xf32>
      %mul3A_48 = arith.mulf %max3A_43, %max3A_47 : vector<1x512xf32>
      %min3A = vector.broadcast %get3A_15 : vector<512x1xf32> to vector<512x512xf32>
      %min3A_49 = vector.broadcast %get3A_36 : vector<1x512xf32> to vector<512x512xf32>
      %min3A_50 = arith.minimumf %min3A, %min3A_49 : vector<512x512xf32>
      %max3A_51 = vector.broadcast %get3A_9 : vector<512x1xf32> to vector<512x512xf32>
      %max3A_52 = vector.broadcast %get3A_30 : vector<1x512xf32> to vector<512x512xf32>
      %max3A_53 = arith.maximumf %max3A_51, %max3A_52 : vector<512x512xf32>
      %sub3A_54 = arith.subf %min3A_50, %max3A_53 : vector<512x512xf32>
      %max3A_55 = arith.constant 0.000000e+00 : f32
      %max3A_56 = vector.broadcast %max3A_55 : f32 to vector<512x512xf32>
      %max3A_57 = arith.maximumf %sub3A_54, %max3A_56 : vector<512x512xf32>
      %min3A_58 = vector.broadcast %get3A_18 : vector<512x1xf32> to vector<512x512xf32>
      %min3A_59 = vector.broadcast %get3A_39 : vector<1x512xf32> to vector<512x512xf32>
      %min3A_60 = arith.minimumf %min3A_58, %min3A_59 : vector<512x512xf32>
      %max3A_61 = vector.broadcast %get3A_12 : vector<512x1xf32> to vector<512x512xf32>
      %max3A_62 = vector.broadcast %get3A_33 : vector<1x512xf32> to vector<512x512xf32>
      %max3A_63 = arith.maximumf %max3A_61, %max3A_62 : vector<512x512xf32>
      %sub3A_64 = arith.subf %min3A_60, %max3A_63 : vector<512x512xf32>
      %max3A_65 = arith.constant 0.000000e+00 : f32
      %max3A_66 = vector.broadcast %max3A_65 : f32 to vector<512x512xf32>
      %max3A_67 = arith.maximumf %sub3A_64, %max3A_66 : vector<512x512xf32>
      %mul3A_68 = arith.mulf %max3A_57, %max3A_67 : vector<512x512xf32>
      %add3A = vector.broadcast %mul3A_25 : vector<512x1xf32> to vector<512x512xf32>
      %add3A_69 = vector.broadcast %mul3A_48 : vector<1x512xf32> to vector<512x512xf32>
      %add3A_70 = arith.addf %add3A, %add3A_69 : vector<512x512xf32>
      %sub3A_71 = arith.subf %add3A_70, %mul3A_68 : vector<512x512xf32>
      %add3A_72 = arith.constant 9.99999971E-10 : f32
      %add3A_73 = vector.broadcast %add3A_72 : f32 to vector<512x512xf32>
      %add3A_74 = arith.addf %sub3A_71, %add3A_73 : vector<512x512xf32>
      %div3A = arith.divf %mul3A_68, %add3A_74 : vector<512x512xf32>
      %iota3A = tpu.iota {dimensions = array<i32: 1>} : vector<512x512xi32>
      %iota3A_75 = tpu.iota {dimensions = array<i32: 0>} : vector<512x512xi32>
      %gt3A = arith.cmpi sgt, %iota3A, %iota3A_75 : vector<512x512xi32>
      %gt3A_76 = arith.constant 2.000000e-01 : f32
      %gt3A_77 = vector.broadcast %gt3A_76 : f32 to vector<512x512xf32>
      %gt3A_78 = arith.cmpf ogt, %div3A, %gt3A_77 : vector<512x512xf32>
      %and3A = arith.andi %gt3A_78, %gt3A : vector<512x512xi1>
      %jit3A = arith.constant 1.000000e+00 : f32
      %jit3A_79 = arith.constant 0.000000e+00 : f32
      %broadcast_in_dim3A = vector.broadcast %jit3A : f32 to vector<512x512xf32>
      %broadcast_in_dim3A_80 = vector.broadcast %jit3A_79 : f32 to vector<512x512xf32>
      %select_n3A = arith.select %and3A, %broadcast_in_dim3A, %broadcast_in_dim3A_80 : vector<512x512xi1>, vector<512x512xf32>
      %get3A_81 = arith.constant 0 : index
      %get3A_82 = arith.index_cast %multiple_of3A : i32 to index
      %get3A_83 = vector.load %arg5[%get3A_81, %get3A_82] : memref<1x5120xf32, #tpu.memory_space<vmem>>, vector<1x512xf32>
      %while3A = arith.constant true
      %while3A_84:2 = scf.while (%while3A_152 = %get3A_83, %while3A_153 = %while3A) : (vector<1x512xf32>, i1) -> (vector<1x512xf32>, i1) {
        scf.condition(%while3A_153) %while3A_152, %while3A_153 : vector<1x512xf32>, i1
      } do {
      ^bb0(%while3A_152: vector<1x512xf32>, %while3A_153: i1):
        %dot_general3A = arith.constant dense<0.000000e+00> : vector<1x512xf32>
        %dot_general3A_154 = tpu.matmul %while3A_152, %select_n3A, %dot_general3A {dimension_numbers = #tpu.dot_dimension_numbers<[1], [0], [0], [1], [0, 0, 1, 1], [], []>, transpose_lhs_hint = false} : vector<1x512xf32>, vector<512x512xf32>, vector<1x512xf32> -> vector<1x512xf32>
        %gt3A_155 = arith.constant 0.000000e+00 : f32
        %gt3A_156 = vector.broadcast %gt3A_155 : f32 to vector<1x512xf32>
        %gt3A_157 = arith.cmpf ogt, %dot_general3A_154, %gt3A_156 : vector<1x512xf32>
        %jit3A_158 = arith.constant 0.000000e+00 : f32
        %broadcast_in_dim3A_159 = vector.broadcast %jit3A_158 : f32 to vector<1x512xf32>
        %select_n3A_160 = arith.select %gt3A_157, %broadcast_in_dim3A_159, %get3A_83 : vector<1x512xi1>, vector<1x512xf32>
        %ne3A_161 = arith.cmpf one, %select_n3A_160, %while3A_152 : vector<1x512xf32>
        %reduce_or3A = arith.constant 1.000000e+00 : f32
        %reduce_or3A_162 = arith.constant 0.000000e+00 : f32
        %reduce_or3A_163 = vector.broadcast %reduce_or3A : f32 to vector<1x512xf32>
        %reduce_or3A_164 = vector.broadcast %reduce_or3A_162 : f32 to vector<1x512xf32>
        %reduce_or3A_165 = arith.select %ne3A_161, %reduce_or3A_163, %reduce_or3A_164 : vector<1x512xi1>, vector<1x512xf32>
        %reduce_or3A_166 = vector.shape_cast %reduce_or3A_165 : vector<1x512xf32> to vector<1x1x512xf32>
        %reduce_or3A_167 = arith.constant dense<0xFF800000> : vector<1xf32>
        %reduce_or3A_168 = vector.multi_reduction <maximumf>, %reduce_or3A_166, %reduce_or3A_167 [1, 2] : vector<1x1x512xf32> to vector<1xf32>
        %reduce_or3A_169 = vector.shape_cast %reduce_or3A_168 : vector<1xf32> to vector<1x1x1xf32>
        %reduce_or3A_170 = vector.extract %reduce_or3A_169[0, 0, 0] : f32 from vector<1x1x1xf32>
        %reduce_or3A_171 = arith.constant 0.000000e+00 : f32
        %reduce_or3A_172 = arith.cmpf ogt, %reduce_or3A_170, %reduce_or3A_171 : f32
        scf.yield %select_n3A_160, %reduce_or3A_172 : vector<1x512xf32>, i1
      }
      %swap3A = arith.constant 0 : index
      %swap3A_85 = arith.index_cast %multiple_of3A : i32 to index
      %swap3A_86 = vector.load %arg5[%swap3A, %swap3A_85] : memref<1x5120xf32, #tpu.memory_space<vmem>>, vector<1x512xf32>
      tpu.vector_store %arg5[%swap3A, %swap3A_85], %while3A_84#0 {strides = array<i32>} : memref<1x5120xf32, #tpu.memory_space<vmem>>, vector<1x512xf32>,
      %reshape3A = vector.shape_cast %while3A_84#0 : vector<1x512xf32> to vector<512x1xf32>
      %swap3A_87 = arith.constant 0 : index
      %swap3A_88 = arith.constant 0 : index
      %swap3A_89 = vector.load %arg4[%swap3A_87, %swap3A_88] : memref<512x1xf32, #tpu.memory_space<vmem>>, vector<512x1xf32>
      tpu.vector_store %arg4[%swap3A_87, %swap3A_88], %reshape3A {strides = array<i32>} : memref<512x1xf32, #tpu.memory_space<vmem>>, vector<512x1xf32>,
      %add3A_90 = arith.constant 1280 : i32
      %add3A_91 = arith.addi %get3A_2, %add3A_90 : i32
      %sub3A_92 = arith.constant 1 : i32
      %sub3A_93 = arith.subi %add3A_91, %sub3A_92 : i32
      %jit3A_94 = arith.constant 1280 : i32
      %div3A_95 = arith.divsi %sub3A_93, %jit3A_94 : i32
      %sign3A = arith.constant 0 : i32
      %sign3A_96 = arith.cmpi sgt, %sub3A_93, %sign3A : i32
      %sign3A_97 = arith.extui %sign3A_96 : i1 to i32
      %sign3A_98 = arith.constant 0 : i32
      %sign3A_99 = arith.cmpi slt, %sub3A_93, %sign3A_98 : i32
      %sign3A_100 = arith.extui %sign3A_99 : i1 to i32
      %sign3A_101 = arith.subi %sign3A_97, %sign3A_100 : i32
      %sign3A_102 = arith.constant 0 : i32
      %sign3A_103 = arith.cmpi sgt, %jit3A_94, %sign3A_102 : i32
      %sign3A_104 = arith.extui %sign3A_103 : i1 to i32
      %sign3A_105 = arith.constant 0 : i32
      %sign3A_106 = arith.cmpi slt, %jit3A_94, %sign3A_105 : i32
      %sign3A_107 = arith.extui %sign3A_106 : i1 to i32
      %sign3A_108 = arith.subi %sign3A_104, %sign3A_107 : i32
      %ne3A = arith.cmpi ne, %sign3A_101, %sign3A_108 : i32
      %rem3A = arith.remsi %sub3A_93, %jit3A_94 : i32
      %ne3A_109 = arith.constant 0 : i32
      %ne3A_110 = arith.cmpi ne, %rem3A, %ne3A_109 : i32
      %and3A_111 = arith.andi %ne3A, %ne3A_110 : i1
      %sub3A_112 = arith.constant 1 : i32
      %sub3A_113 = arith.subi %div3A_95, %sub3A_112 : i32
      %select_n3A_114 = arith.select %and3A_111, %sub3A_113, %div3A_95 : i32
      %mul3A_115 = arith.constant 512 : i32
      %mul3A_116 = arith.muli %arg0, %mul3A_115 : i32
      %jit3A_117 = arith.constant 1280 : i32
      %div3A_118 = arith.divsi %mul3A_116, %jit3A_117 : i32
      %sign3A_119 = arith.constant 0 : i32
      %sign3A_120 = arith.cmpi sgt, %mul3A_116, %sign3A_119 : i32
      %sign3A_121 = arith.extui %sign3A_120 : i1 to i32
      %sign3A_122 = arith.constant 0 : i32
      %sign3A_123 = arith.cmpi slt, %mul3A_116, %sign3A_122 : i32
      %sign3A_124 = arith.extui %sign3A_123 : i1 to i32
      %sign3A_125 = arith.subi %sign3A_121, %sign3A_124 : i32
      %sign3A_126 = arith.constant 0 : i32
      %sign3A_127 = arith.cmpi sgt, %jit3A_117, %sign3A_126 : i32
      %sign3A_128 = arith.extui %sign3A_127 : i1 to i32
      %sign3A_129 = arith.constant 0 : i32
      %sign3A_130 = arith.cmpi slt, %jit3A_117, %sign3A_129 : i32
      %sign3A_131 = arith.extui %sign3A_130 : i1 to i32
      %sign3A_132 = arith.subi %sign3A_128, %sign3A_131 : i32
      %ne3A_133 = arith.cmpi ne, %sign3A_125, %sign3A_132 : i32
      %rem3A_134 = arith.remsi %mul3A_116, %jit3A_117 : i32
      %ne3A_135 = arith.constant 0 : i32
      %ne3A_136 = arith.cmpi ne, %rem3A_134, %ne3A_135 : i32
      %and3A_137 = arith.andi %ne3A_133, %ne3A_136 : i1
      %sub3A_138 = arith.constant 1 : i32
      %sub3A_139 = arith.subi %div3A_118, %sub3A_138 : i32
      %select_n3A_140 = arith.select %and3A_137, %sub3A_139, %div3A_118 : i32
      %while3A_141 = arith.constant 0 : i32
      %while3A_142 = arith.subi %select_n3A_114, %select_n3A_140 : i32
      %while3A_143 = arith.addi %select_n3A_140, %while3A_142 : i32
      %while3A_144 = arith.constant 1 : i32
      %while3A_145 = arith.divsi %while3A_142, %while3A_144 : i32
      %while3A_146 = arith.muli %while3A_145, %while3A_144 : i32
      %while3A_147 = arith.addi %select_n3A_140, %while3A_146 : i32
      %while3A_148 = arith.constant 1 : i32
      %while3A_149 = scf.for %while3A_152 = %select_n3A_140 to %while3A_147 step %while3A_148 iter_args(%while3A_153 = %while3A_141) -> (i32)  : i32 {
        %mul3A_154 = arith.constant 1280 : i32
        %mul3A_155 = arith.muli %while3A_152, %mul3A_154 : i32
        %multiple_of3A_156 = tpu.assume_multiple %mul3A_155, 1280 : i32
        %get3A_157 = arith.constant 0 : index
        %get3A_158 = arith.index_cast %multiple_of3A_156 : i32 to index
        %get3A_159 = vector.load %arg3[%get3A_157, %get3A_158] : memref<4x5120xf32, #tpu.memory_space<vmem>>, vector<1x1280xf32>
        %get3A_160 = arith.constant 1 : index
        %get3A_161 = arith.index_cast %multiple_of3A_156 : i32 to index
        %get3A_162 = vector.load %arg3[%get3A_160, %get3A_161] : memref<4x5120xf32, #tpu.memory_space<vmem>>, vector<1x1280xf32>
        %get3A_163 = arith.constant 2 : index
        %get3A_164 = arith.index_cast %multiple_of3A_156 : i32 to index
        %get3A_165 = vector.load %arg3[%get3A_163, %get3A_164] : memref<4x5120xf32, #tpu.memory_space<vmem>>, vector<1x1280xf32>
        %get3A_166 = arith.constant 3 : index
        %get3A_167 = arith.index_cast %multiple_of3A_156 : i32 to index
        %get3A_168 = vector.load %arg3[%get3A_166, %get3A_167] : memref<4x5120xf32, #tpu.memory_space<vmem>>, vector<1x1280xf32>
        %sub3A_169 = arith.subf %get3A_165, %get3A_159 : vector<1x1280xf32>
        %max3A_170 = arith.constant 0.000000e+00 : f32
        %max3A_171 = vector.broadcast %max3A_170 : f32 to vector<1x1280xf32>
        %max3A_172 = arith.maximumf %sub3A_169, %max3A_171 : vector<1x1280xf32>
        %sub3A_173 = arith.subf %get3A_168, %get3A_162 : vector<1x1280xf32>
        %max3A_174 = arith.constant 0.000000e+00 : f32
        %max3A_175 = vector.broadcast %max3A_174 : f32 to vector<1x1280xf32>
        %max3A_176 = arith.maximumf %sub3A_173, %max3A_175 : vector<1x1280xf32>
        %mul3A_177 = arith.mulf %max3A_172, %max3A_176 : vector<1x1280xf32>
        %min3A_178 = vector.broadcast %get3A_15 : vector<512x1xf32> to vector<512x1280xf32>
        %min3A_179 = vector.broadcast %get3A_165 : vector<1x1280xf32> to vector<512x1280xf32>
        %min3A_180 = arith.minimumf %min3A_178, %min3A_179 : vector<512x1280xf32>
        %max3A_181 = vector.broadcast %get3A_9 : vector<512x1xf32> to vector<512x1280xf32>
        %max3A_182 = vector.broadcast %get3A_159 : vector<1x1280xf32> to vector<512x1280xf32>
        %max3A_183 = arith.maximumf %max3A_181, %max3A_182 : vector<512x1280xf32>
        %sub3A_184 = arith.subf %min3A_180, %max3A_183 : vector<512x1280xf32>
        %max3A_185 = arith.constant 0.000000e+00 : f32
        %max3A_186 = vector.broadcast %max3A_185 : f32 to vector<512x1280xf32>
        %max3A_187 = arith.maximumf %sub3A_184, %max3A_186 : vector<512x1280xf32>
        %min3A_188 = vector.broadcast %get3A_18 : vector<512x1xf32> to vector<512x1280xf32>
        %min3A_189 = vector.broadcast %get3A_168 : vector<1x1280xf32> to vector<512x1280xf32>
        %min3A_190 = arith.minimumf %min3A_188, %min3A_189 : vector<512x1280xf32>
        %max3A_191 = vector.broadcast %get3A_12 : vector<512x1xf32> to vector<512x1280xf32>
        %max3A_192 = vector.broadcast %get3A_162 : vector<1x1280xf32> to vector<512x1280xf32>
        %max3A_193 = arith.maximumf %max3A_191, %max3A_192 : vector<512x1280xf32>
        %sub3A_194 = arith.subf %min3A_190, %max3A_193 : vector<512x1280xf32>
        %max3A_195 = arith.constant 0.000000e+00 : f32
        %max3A_196 = vector.broadcast %max3A_195 : f32 to vector<512x1280xf32>
        %max3A_197 = arith.maximumf %sub3A_194, %max3A_196 : vector<512x1280xf32>
        %mul3A_198 = arith.mulf %max3A_187, %max3A_197 : vector<512x1280xf32>
        %add3A_199 = vector.broadcast %mul3A_25 : vector<512x1xf32> to vector<512x1280xf32>
        %add3A_200 = vector.broadcast %mul3A_177 : vector<1x1280xf32> to vector<512x1280xf32>
        %add3A_201 = arith.addf %add3A_199, %add3A_200 : vector<512x1280xf32>
        %sub3A_202 = arith.subf %add3A_201, %mul3A_198 : vector<512x1280xf32>
        %add3A_203 = arith.constant 9.99999971E-10 : f32
        %add3A_204 = vector.broadcast %add3A_203 : f32 to vector<512x1280xf32>
        %add3A_205 = arith.addf %sub3A_202, %add3A_204 : vector<512x1280xf32>
        %div3A_206 = arith.divf %mul3A_198, %add3A_205 : vector<512x1280xf32>
        %iota3A_207 = tpu.iota {dimensions = array<i32: 1>} : vector<512x1280xi32>
        %add3A_208 = vector.broadcast %multiple_of3A_156 : i32 to vector<512x1280xi32>
        %add3A_209 = arith.addi %iota3A_207, %add3A_208 : vector<512x1280xi32>
        %iota3A_210 = tpu.iota {dimensions = array<i32: 0>} : vector<512x1280xi32>
        %mul3A_211 = arith.constant 512 : i32
        %mul3A_212 = arith.muli %arg0, %mul3A_211 : i32
        %add3A_213 = vector.broadcast %mul3A_212 : i32 to vector<512x1280xi32>
        %add3A_214 = arith.addi %iota3A_210, %add3A_213 : vector<512x1280xi32>
        %gt3A_215 = arith.constant 2.000000e-01 : f32
        %gt3A_216 = vector.broadcast %gt3A_215 : f32 to vector<512x1280xf32>
        %gt3A_217 = arith.cmpf ogt, %div3A_206, %gt3A_216 : vector<512x1280xf32>
        %gt3A_218 = arith.cmpi sgt, %add3A_209, %add3A_214 : vector<512x1280xi32>
        %and3A_219 = arith.andi %gt3A_217, %gt3A_218 : vector<512x1280xi1>
        %jit3A_220 = arith.constant 1.000000e+00 : f32
        %jit3A_221 = arith.constant 0.000000e+00 : f32
        %broadcast_in_dim3A_222 = vector.broadcast %jit3A_220 : f32 to vector<512x1280xf32>
        %broadcast_in_dim3A_223 = vector.broadcast %jit3A_221 : f32 to vector<512x1280xf32>
        %select_n3A_224 = arith.select %and3A_219, %broadcast_in_dim3A_222, %broadcast_in_dim3A_223 : vector<512x1280xi1>, vector<512x1280xf32>
        %dot_general3A = arith.constant dense<0.000000e+00> : vector<1x1280xf32>
        %dot_general3A_225 = tpu.matmul %while3A_84#0, %select_n3A_224, %dot_general3A {dimension_numbers = #tpu.dot_dimension_numbers<[1], [0], [0], [1], [0, 0, 1, 1], [], []>, transpose_lhs_hint = false} : vector<1x512xf32>, vector<512x1280xf32>, vector<1x1280xf32> -> vector<1x1280xf32>
        %gt3A_226 = arith.constant 0.000000e+00 : f32
        %gt3A_227 = vector.broadcast %gt3A_226 : f32 to vector<1x1280xf32>
        %gt3A_228 = arith.cmpf ogt, %dot_general3A_225, %gt3A_227 : vector<1x1280xf32>
        %get3A_229 = arith.constant 0 : index
        %get3A_230 = arith.index_cast %multiple_of3A_156 : i32 to index
        %get3A_231 = vector.load %arg5[%get3A_229, %get3A_230] : memref<1x5120xf32, #tpu.memory_space<vmem>>, vector<1x1280xf32>
        %jit3A_232 = arith.constant 0.000000e+00 : f32
        %broadcast_in_dim3A_233 = vector.broadcast %jit3A_232 : f32 to vector<1x1280xf32>
        %select_n3A_234 = arith.select %gt3A_228, %broadcast_in_dim3A_233, %get3A_231 : vector<1x1280xi1>, vector<1x1280xf32>
        %swap3A_235 = arith.constant 0 : index
        %swap3A_236 = arith.index_cast %multiple_of3A_156 : i32 to index
        %swap3A_237 = vector.load %arg5[%swap3A_235, %swap3A_236] : memref<1x5120xf32, #tpu.memory_space<vmem>>, vector<1x1280xf32>
        tpu.vector_store %arg5[%swap3A_235, %swap3A_236], %select_n3A_234 {strides = array<i32>} : memref<1x5120xf32, #tpu.memory_space<vmem>>, vector<1x1280xf32>,
        %while3A_238 = arith.constant 0 : i32
        scf.yield %while3A_238 : i32
      }
      %while3A_150 = arith.constant 1 : i32
      %while3A_151 = scf.for %while3A_152 = %while3A_147 to %while3A_143 step %while3A_150 iter_args(%while3A_153 = %while3A_149) -> (i32)  : i32 {
        %mul3A_154 = arith.constant 1280 : i32
        %mul3A_155 = arith.muli %while3A_152, %mul3A_154 : i32
        %multiple_of3A_156 = tpu.assume_multiple %mul3A_155, 1280 : i32
        %get3A_157 = arith.constant 0 : index
        %get3A_158 = arith.index_cast %multiple_of3A_156 : i32 to index
        %get3A_159 = vector.load %arg3[%get3A_157, %get3A_158] : memref<4x5120xf32, #tpu.memory_space<vmem>>, vector<1x1280xf32>
        %get3A_160 = arith.constant 1 : index
        %get3A_161 = arith.index_cast %multiple_of3A_156 : i32 to index
        %get3A_162 = vector.load %arg3[%get3A_160, %get3A_161] : memref<4x5120xf32, #tpu.memory_space<vmem>>, vector<1x1280xf32>
        %get3A_163 = arith.constant 2 : index
        %get3A_164 = arith.index_cast %multiple_of3A_156 : i32 to index
        %get3A_165 = vector.load %arg3[%get3A_163, %get3A_164] : memref<4x5120xf32, #tpu.memory_space<vmem>>, vector<1x1280xf32>
        %get3A_166 = arith.constant 3 : index
        %get3A_167 = arith.index_cast %multiple_of3A_156 : i32 to index
        %get3A_168 = vector.load %arg3[%get3A_166, %get3A_167] : memref<4x5120xf32, #tpu.memory_space<vmem>>, vector<1x1280xf32>
        %sub3A_169 = arith.subf %get3A_165, %get3A_159 : vector<1x1280xf32>
        %max3A_170 = arith.constant 0.000000e+00 : f32
        %max3A_171 = vector.broadcast %max3A_170 : f32 to vector<1x1280xf32>
        %max3A_172 = arith.maximumf %sub3A_169, %max3A_171 : vector<1x1280xf32>
        %sub3A_173 = arith.subf %get3A_168, %get3A_162 : vector<1x1280xf32>
        %max3A_174 = arith.constant 0.000000e+00 : f32
        %max3A_175 = vector.broadcast %max3A_174 : f32 to vector<1x1280xf32>
        %max3A_176 = arith.maximumf %sub3A_173, %max3A_175 : vector<1x1280xf32>
        %mul3A_177 = arith.mulf %max3A_172, %max3A_176 : vector<1x1280xf32>
        %min3A_178 = vector.broadcast %get3A_15 : vector<512x1xf32> to vector<512x1280xf32>
        %min3A_179 = vector.broadcast %get3A_165 : vector<1x1280xf32> to vector<512x1280xf32>
        %min3A_180 = arith.minimumf %min3A_178, %min3A_179 : vector<512x1280xf32>
        %max3A_181 = vector.broadcast %get3A_9 : vector<512x1xf32> to vector<512x1280xf32>
        %max3A_182 = vector.broadcast %get3A_159 : vector<1x1280xf32> to vector<512x1280xf32>
        %max3A_183 = arith.maximumf %max3A_181, %max3A_182 : vector<512x1280xf32>
        %sub3A_184 = arith.subf %min3A_180, %max3A_183 : vector<512x1280xf32>
        %max3A_185 = arith.constant 0.000000e+00 : f32
        %max3A_186 = vector.broadcast %max3A_185 : f32 to vector<512x1280xf32>
        %max3A_187 = arith.maximumf %sub3A_184, %max3A_186 : vector<512x1280xf32>
        %min3A_188 = vector.broadcast %get3A_18 : vector<512x1xf32> to vector<512x1280xf32>
        %min3A_189 = vector.broadcast %get3A_168 : vector<1x1280xf32> to vector<512x1280xf32>
        %min3A_190 = arith.minimumf %min3A_188, %min3A_189 : vector<512x1280xf32>
        %max3A_191 = vector.broadcast %get3A_12 : vector<512x1xf32> to vector<512x1280xf32>
        %max3A_192 = vector.broadcast %get3A_162 : vector<1x1280xf32> to vector<512x1280xf32>
        %max3A_193 = arith.maximumf %max3A_191, %max3A_192 : vector<512x1280xf32>
        %sub3A_194 = arith.subf %min3A_190, %max3A_193 : vector<512x1280xf32>
        %max3A_195 = arith.constant 0.000000e+00 : f32
        %max3A_196 = vector.broadcast %max3A_195 : f32 to vector<512x1280xf32>
        %max3A_197 = arith.maximumf %sub3A_194, %max3A_196 : vector<512x1280xf32>
        %mul3A_198 = arith.mulf %max3A_187, %max3A_197 : vector<512x1280xf32>
        %add3A_199 = vector.broadcast %mul3A_25 : vector<512x1xf32> to vector<512x1280xf32>
        %add3A_200 = vector.broadcast %mul3A_177 : vector<1x1280xf32> to vector<512x1280xf32>
        %add3A_201 = arith.addf %add3A_199, %add3A_200 : vector<512x1280xf32>
        %sub3A_202 = arith.subf %add3A_201, %mul3A_198 : vector<512x1280xf32>
        %add3A_203 = arith.constant 9.99999971E-10 : f32
        %add3A_204 = vector.broadcast %add3A_203 : f32 to vector<512x1280xf32>
        %add3A_205 = arith.addf %sub3A_202, %add3A_204 : vector<512x1280xf32>
        %div3A_206 = arith.divf %mul3A_198, %add3A_205 : vector<512x1280xf32>
        %iota3A_207 = tpu.iota {dimensions = array<i32: 1>} : vector<512x1280xi32>
        %add3A_208 = vector.broadcast %multiple_of3A_156 : i32 to vector<512x1280xi32>
        %add3A_209 = arith.addi %iota3A_207, %add3A_208 : vector<512x1280xi32>
        %iota3A_210 = tpu.iota {dimensions = array<i32: 0>} : vector<512x1280xi32>
        %mul3A_211 = arith.constant 512 : i32
        %mul3A_212 = arith.muli %arg0, %mul3A_211 : i32
        %add3A_213 = vector.broadcast %mul3A_212 : i32 to vector<512x1280xi32>
        %add3A_214 = arith.addi %iota3A_210, %add3A_213 : vector<512x1280xi32>
        %gt3A_215 = arith.constant 2.000000e-01 : f32
        %gt3A_216 = vector.broadcast %gt3A_215 : f32 to vector<512x1280xf32>
        %gt3A_217 = arith.cmpf ogt, %div3A_206, %gt3A_216 : vector<512x1280xf32>
        %gt3A_218 = arith.cmpi sgt, %add3A_209, %add3A_214 : vector<512x1280xi32>
        %and3A_219 = arith.andi %gt3A_217, %gt3A_218 : vector<512x1280xi1>
        %jit3A_220 = arith.constant 1.000000e+00 : f32
        %jit3A_221 = arith.constant 0.000000e+00 : f32
        %broadcast_in_dim3A_222 = vector.broadcast %jit3A_220 : f32 to vector<512x1280xf32>
        %broadcast_in_dim3A_223 = vector.broadcast %jit3A_221 : f32 to vector<512x1280xf32>
        %select_n3A_224 = arith.select %and3A_219, %broadcast_in_dim3A_222, %broadcast_in_dim3A_223 : vector<512x1280xi1>, vector<512x1280xf32>
        %dot_general3A = arith.constant dense<0.000000e+00> : vector<1x1280xf32>
        %dot_general3A_225 = tpu.matmul %while3A_84#0, %select_n3A_224, %dot_general3A {dimension_numbers = #tpu.dot_dimension_numbers<[1], [0], [0], [1], [0, 0, 1, 1], [], []>, transpose_lhs_hint = false} : vector<1x512xf32>, vector<512x1280xf32>, vector<1x1280xf32> -> vector<1x1280xf32>
        %gt3A_226 = arith.constant 0.000000e+00 : f32
        %gt3A_227 = vector.broadcast %gt3A_226 : f32 to vector<1x1280xf32>
        %gt3A_228 = arith.cmpf ogt, %dot_general3A_225, %gt3A_227 : vector<1x1280xf32>
        %get3A_229 = arith.constant 0 : index
        %get3A_230 = arith.index_cast %multiple_of3A_156 : i32 to index
        %get3A_231 = vector.load %arg5[%get3A_229, %get3A_230] : memref<1x5120xf32, #tpu.memory_space<vmem>>, vector<1x1280xf32>
        %jit3A_232 = arith.constant 0.000000e+00 : f32
        %broadcast_in_dim3A_233 = vector.broadcast %jit3A_232 : f32 to vector<1x1280xf32>
        %select_n3A_234 = arith.select %gt3A_228, %broadcast_in_dim3A_233, %get3A_231 : vector<1x1280xi1>, vector<1x1280xf32>
        %swap3A_235 = arith.constant 0 : index
        %swap3A_236 = arith.index_cast %multiple_of3A_156 : i32 to index
        %swap3A_237 = vector.load %arg5[%swap3A_235, %swap3A_236] : memref<1x5120xf32, #tpu.memory_space<vmem>>, vector<1x1280xf32>
        tpu.vector_store %arg5[%swap3A_235, %swap3A_236], %select_n3A_234 {strides = array<i32>} : memref<1x5120xf32, #tpu.memory_space<vmem>>, vector<1x1280xf32>,
        %while3A_238 = arith.constant 0 : i32
        scf.yield %while3A_238 : i32
      }
    } else {
    }
    return
  }
  func.func @transform_0(%arg0: i32, %arg1: memref<16xi32, #tpu.memory_space<smem>>) -> (i32, i32) {
    %c0_i32 = arith.constant 0 : i32
    %c0_i32_0 = arith.constant 0 : i32
    return %arg0, %c0_i32 : i32, i32
  }
  func.func @transform_1(%arg0: i32, %arg1: memref<16xi32, #tpu.memory_space<smem>>) -> (i32, i32) {
    %c0_i32 = arith.constant 0 : i32
    %c0_i32_0 = arith.constant 0 : i32
    %c0_i32_1 = arith.constant 0 : i32
    return %c0_i32, %c0_i32_0 : i32, i32
  }
  func.func @transform_2(%arg0: i32, %arg1: memref<16xi32, #tpu.memory_space<smem>>) -> (i32, i32) {
    %c0_i32 = arith.constant 0 : i32
    %c0_i32_0 = arith.constant 0 : i32
    return %arg0, %c0_i32 : i32, i32
  }
}

</mosaic_0001>

<sc_bundles>
// kernel: kernel.5.cloned.1.call-start
scs
__scs_entry_jumppad:
0x0: {  	(pc) =	sbr.rel $0x88, $3  }
0x1: {  	(tag) =	ssettag $0x0;
	lr =	simm.s32 $0x1  }
0x2: {  	[smem:$0x3F9F] =	sst lr;
	_ =	strace $0xD0000000  }
0x3: {  	_ = 	snop  }
0x4: {  	_ = 	snop  }
0x5: {  	_ = 	snop  }
0x6: {  	_ = 	snop  }
0x7: {  	_ = 	snop  }
__scs_overlays_trampoline_lowered:
0x8: {  	[smem:$0x3FAE] =	sst s0  }
0x9: {  	[smem:$0x3FAF] =	sst s1  }
0xa: {  	[smem:$0x3FB0] =	sst s2  }
0xb: {  	[smem:$0x3FB1] =	sst s3  }
0xc: {  	[smem:$0x3FB2] =	sst s4  }
0xd: {  	[smem:$0x3FB3] =	sst s5  }
0xe: {  	[smem:$0x3FB4] =	sst s6  }
0xf: {  	[smem:$0x3FB5] =	sst s7  }
0x10: {  	[smem:$0x3FB6] =	sst s8  }
0x11: {  	[smem:$0x3FB7] =	sst s9;
	s0 =	simm.s32 @!p0 $0x0  }
0x12: {  	s1 =	sld [smem:$0x3F9D];
	s0 =	simm.s32 @p0 $0x1  }
0x13: {  	[smem:$0x3FB8] =	sst s0;
	s0 =	simm.s32 @!p1 $0x0  }
0x14: {  	s2 =	sld [smem:$0x3F9C];
	s0 =	simm.s32 @p1 $0x1  }
0x15: {  	[smem:$0x3FB9] =	sst s0;
	s0 =	simm.s32 @!p2 $0x0  }
0x16: {  	s3 =	sld [smem:$0x3FDB];
	s0 =	simm.s32 @p2 $0x1  }
0x17: {  	s4 =	simm.s32 $0x1BF5;
	[smem:$0x3FBB] =	sst s0  }
0x18: {  	s0 =	sld [smem:$0x3F9E];
	_ =	swait.ge [sflag:s4], $0x0  }
0x19: {  	s7 =	sld [smem:$0x3F9F]  }
0x1a: {  	s8 =	sadd.s32 $0xFFFFE003, lr  }
0x1b: {  	s9 =	sadd.s32 $0xFFFFFEF7, lr;
	s5 =	simm.s32 $0xFFFFFFFF;
	p2 =	slt.u32 s8, $0xFFFFF086  }
0x1c: {  	p1 =	slt.u32 s9, $0xF7A;
	s5 =	simm.s32 @!p2 $0x0  }
0x1d: {  	s5 =	simm.s32 @p1 $0x1;
	p0 =	seq.s32 s7, s2  }
0x1e: {  	s7 =	smul.u32 @!p0 $0xF7A, s2;
	p2 =	seq.s32 @!p0 s5, $0x0  }
0x1f: {  	s9 =	smul.u32 $0xF7A, s1;
	s8 =	simm.s32 @!p0 $0x1BF5;
	p2 =	por !p2, p0  }
0x20: {  	[sflag:s8] =	ssyncset.s32 @!p0 $0xFFFFF086;
	s6 =	sadd.s32 @!p0 s3, s7;
	s7 =	simm.s32 @!p0 $0x108  }
0x21: {  	s3 =	sadd.s32 s3, s9;
	s6 =	sadd.s32 @!p0 $0x88, s6;
	s7 =	simm.s32 @p2 $0x1082  }
0x22: {  	[simem:s7], [sflag:s8] =	dma.local @!p0 [hbm:s6], $0xF7A  }
0x23: {  	s9 =	sor.u32 $0xD0000000, s2;
	s6 =	simm.s32 $0x108;
	_ =	swait.ge @!p0 [sflag:s8], $0x0  }
0x24: {  	s3 =	sadd.s32 $0x88, s3;
	s6 =	simm.s32 @!p1 $0x1082;
	[sflag:s4] =	ssyncset.s32 $0xFFFFF086  }
0x25: {  	[simem:s6], [sflag:s4] =	dma.local [hbm:s3], $0xF7A  }
0x26: {  	[smem:$0x3F9F] =	sst s1;
	(tag) =	ssettag s2;
	_ =	strace s9  }
0x27: {  	s1 =	sld [smem:$0x3FAF]  }
0x28: {  	s2 =	sld [smem:$0x3FB0]  }
0x29: {  	s4 =	sld [smem:$0x3FB2]  }
0x2a: {  	p0 =	seq.s32 s5, $0x0;
	s5 =	sld [smem:$0x3FB3]  }
0x2b: {  	s6 =	sld [smem:$0x3FB4]  }
0x2c: {  	s7 =	sld [smem:$0x3FB5]  }
0x2d: {  	s3 =	simm.s32 $0x108;
	s8 =	sld [smem:$0x3FB6]  }
0x2e: {  	s3 =	simm.s32 @!p0 $0x1082;
	s9 =	sld [smem:$0x3FB7]  }
0x2f: {  	lr =	sadd.s32 s0, s3;
	s0 =	sld [smem:$0x3FAE]  }
0x30: {  	s3 =	sld [smem:$0x3FB1]  }
0x31: {  	[smem:$0x3FBA] =	sst s10  }
0x32: {  	s10 =	sld [smem:$0x3FB8];
	_ =	sdelay $0x3  }
0x33: {  	p0 =	seq.s32 s10, $0x1;
	s10 =	sld [smem:$0x3FBA];
	_ =	sdelay $0x3  }
0x34: {  	[smem:$0x3FBA] =	sst s10  }
0x35: {  	s10 =	sld [smem:$0x3FB9];
	_ =	sdelay $0x3  }
0x36: {  	p1 =	seq.s32 s10, $0x1;
	s10 =	sld [smem:$0x3FBA];
	_ =	sdelay $0x3  }
0x37: {  	[smem:$0x3FBA] =	sst s10  }
0x38: {  	s10 =	sld [smem:$0x3FBB]  }
0x39: {  	_ = 	snop;
	(pc) =	sbr.ind lr, $3  }
0x3a: {  	_ = 	snop  }
0x3b: {  	_ = 	snop  }
0x3c: {  	p2 =	seq.s32 s10, $0x1;
	s10 =	sld [smem:$0x3FBA]  }
0x3d: {  	_ =	shalt  }
0x3e: {  	_ =	shalt  }
0x3f: {  	_ =	shalt  }
0x40: {  	_ =	shalt  }
0x41: {  	_ =	shalt  }
0x42: {  	_ =	shalt  }
0x43: {  	_ =	shalt  }
0x44: {  	_ =	shalt  }
0x45: {  	_ =	shalt  }
0x46: {  	_ =	shalt  }
0x47: {  	_ =	shalt  }
0x48: {  	_ =	shalt  }
0x49: {  	_ =	shalt  }
0x4a: {  	_ =	shalt  }
0x4b: {  	_ =	shalt  }
0x4c: {  	_ =	shalt  }
0x4d: {  	_ =	shalt  }
0x4e: {  	_ =	shalt  }
0x4f: {  	_ =	shalt  }
0x50: {  	_ =	shalt  }
0x51: {  	_ =	shalt  }
0x52: {  	_ =	shalt  }
0x53: {  	_ =	shalt  }
0x54: {  	_ =	shalt  }
0x55: {  	_ =	shalt  }
0x56: {  	_ =	shalt  }
0x57: {  	_ =	shalt  }
0x58: {  	_ =	shalt  }
0x59: {  	_ =	shalt  }
0x5a: {  	_ =	shalt  }
0x5b: {  	_ =	shalt  }
0x5c: {  	_ =	shalt  }
0x5d: {  	_ =	shalt  }
0x5e: {  	_ =	shalt  }
0x5f: {  	_ =	shalt  }
0x60: {  	_ =	shalt  }
0x61: {  	_ =	shalt  }
0x62: {  	_ =	shalt  }
0x63: {  	_ =	shalt  }
0x64: {  	_ =	shalt  }
0x65: {  	_ =	shalt  }
0x66: {  	_ =	shalt  }
0x67: {  	_ =	shalt  }
0x68: {  	_ =	shalt  }
0x69: {  	_ =	shalt  }
0x6a: {  	_ =	shalt  }
0x6b: {  	_ =	shalt  }
0x6c: {  	_ =	shalt  }
0x6d: {  	_ =	shalt  }
0x6e: {  	_ =	shalt  }
0x6f: {  	_ =	shalt  }
0x70: {  	_ =	shalt  }
0x71: {  	_ =	shalt  }
0x72: {  	_ =	shalt  }
0x73: {  	_ =	shalt  }
0x74: {  	_ =	shalt  }
0x75: {  	_ =	shalt  }
0x76: {  	_ =	shalt  }
0x77: {  	_ =	shalt  }
0x78: {  	_ =	shalt  }
0x79: {  	_ =	shalt  }
0x7a: {  	_ =	shalt  }
0x7b: {  	_ =	shalt  }
0x7c: {  	_ =	shalt  }
0x7d: {  	_ =	shalt  }
0x7e: {  	_ =	shalt  }
0x7f: {  	_ =	shalt  }
0x80: {  	_ =	shalt  }
0x81: {  	_ =	shalt  }
0x82: {  	_ =	shalt  }
0x83: {  	_ =	shalt  }
0x84: {  	_ =	shalt  }
0x85: {  	_ =	shalt  }
0x86: {  	_ =	shalt  }
0x87: {  	_ =	shalt  }
.Lfunc_end0:
.L_simem_size_0:
called_computation_lowered:
.L_overlay_start_0:
0x88: {  	s2 =	sld [smem:$0x3FD9]  }
0x89: {  	s3 =	sld [smem:$0x3FFE];
	_ =	sdelay $0x1  }
0x8a: {  	s1 =	srdreg.scid  }
0x8b: {  	s0 =	sand.u32 $0x1, s1  }
0x8c: {  	s17 =	sshll.u32 s0, $0xA;
	s2 =	sadd.s32 s3, s2  }
0x8d: {  	s2 =	sadd.s32 s2, s17  }
0x8e: {  	[smem:$0x3FC6] =	sst s2  }
0x8f: {  	_ = 	snop  }
0x90: {  	s2 =	sld [smem:$0x3FC8]  }
0x91: {  	s18 =	sld [smem:$0x3FD0];
	(tm) =	ssettm $0x1  }
0x92: {  	s4 =	sld [smem:$0x3FFB];
	_ =	sdelay $0x3  }
0x93: {  	_ =	strace s4  }
0x94: {  	s4 =	sld [smem:$0x3FFC];
	_ =	sdelay $0x3  }
0x95: {  	_ =	strace s4  }
0x96: {  	s4 =	sld [smem:$0x3FFD];
	_ =	sdelay $0x3  }
0x97: {  	_ =	strace s4  }
0x98: {  	_ =	strace $0x8FFFFFFF  }
0x99: {  	s19 =	sld [smem:$0x3FDB];
	_ =	sdelay $0x1  }
0x9a: {  	s5 =	simm.s32 $_scs_section_size  }
0x9b: {  	s6 =	simm.s32 $_size__tile_overlayer_lowered;
	s7 =	simm.s32 $_tile_overlayer_lowered  }
0x9c: {  	s22 =	simm.s32 $0x1BFF;
	s21 =	sshll.u32 s7, $0x1;
	s4 =	sadd.s32 s5, s19  }
0x9d: {  	s8 =	simm.s32 $0x0;
	s20 =	sshll.u32 s6, $0x1;
	s6 =	sadd.s32 s21, s4  }
0x9e: {  	[timem:s8], [sflag:s22] =	dma.local [hbm:s6], s20  }
0x9f: {  	_ =	swait.ge [sflag:s22], s20  }
0xa0: {  	s5 =	ssub.s32 $0x0, s20;
	[sflag:s22] =	ssyncset.done $0x0  }
0xa1: {  	[sflag:s22] =	ssyncadd.s32 s5;
	_ =	sdelay $0x1  }
0xa2: {  	s23 =	simm.s32 $0x1B8B  }
0xa3: {  	_ =	swait.ge [sflag:s23], $0x1  }
0xa4: {  	[sflag:s23] =	ssyncset.done $0x0  }
0xa5: {  	s25 =	simm.s32 $0x1B8E;
	s24 =	sld [smem:$0x3FFE];
	[sflag:s23] =	ssyncadd.s32 $0xFFFFFFFF  }
0xa6: {  	s26 =	simm.s32 $execute0_lowered;
	[smem:$0x3FD2] =	sst s25  }
0xa7: {  	s6 =	sshll.u32 s26, $0x1;
	_ =	strace $0x80000046;
	[dreg:$0x1] =	wrdreg $0xFFFFFFFF  }
0xa8: {  	s28 =	simm.s32 $_size_execute0_lowered;
	s4 =	sadd.s32 s4, s6;
	[dreg:$0x0] =	wrdreg $0x0  }
0xa9: {  	s6 =	sshll.u32 s28, $0x1;
	[dreg:$0x2] =	wrdreg s4  }
0xaa: {  	[dreg:$0x3] =	wrdreg s6  }
0xab: {  	[dreg:$0x4] =	wrdreg $0xC0  }
0xac: {  	_ =	task [dreg:s8], $0x5FFFF  }
0xad: {  	[dreg:$0x1] =	wrdreg $0xFFFFFFFF  }
0xae: {  	[dreg:$0x0] =	wrdreg $0x60  }
0xaf: {  	[dreg:$0x2] =	wrdreg s18  }
0xb0: {  	[dreg:$0x3] =	wrdreg s24  }
0xb1: {  	[dreg:$0x4] =	wrdreg s2  }
0xb2: {  	[dreg:$0x5] =	wrdreg $0x9  }
0xb3: {  	_ =	task.clear_ibuf [dreg:s8], $0x6FFFF;
	_ =	strace $0x90000046  }
0xb4: {  	s29 =	simm.s32 $0x9;
	_ =	strace $0x80000048  }
0xb5: {  	_ =	swait.ge [sflag:s29], $0x1  }
0xb6: {  	[sflag:s29] =	ssyncadd.s32 $0xFFFFFFFF  }
0xb7: {  	_ =	strace $0x90000048  }
0xb8: {  	_ =	sfence  }
0xb9: {  	s30 =	sld [smem:$0x0];
	_ =	sdelay $0x2  }
0xba: {  	s31 =	sshll.u32 s1, $0xD;
	s1 =	sshrl.u32 s1, $0x2  }
0xbb: {  	s3 =	sand.u32 $0x4000, s31;
	s1 =	sadd.s32 s1, s30  }
0xbc: {  	s0 =	sor.u32 s3, s0;
	s1 =	sshll.u32 s1, $0x11  }
0xbd: {  	s0 =	sor.u32 s1, s0  }
0xbe: {  	s0 =	sadd.s32 $0x8F2B, s0  }
0xbf: {  	[sflag:s0] =	ssyncadd.remote.s32 $0x1  }
0xc0: {  	_ =	sfence.sel $0xFFFF  }
0xc1: {  	[dreg:$0x0] =	wrdreg $0xFFFFFFFF;
	(pc) =	sbr.abs _section_cstart, $3  }
0xc2: {  	[dreg:$0x1] =	wrdreg $0xFFFFFFFF  }
0xc3: {  	_ =	task.clear_ibuf [dreg:s8], $0x2FFFF;
	_ =	strace $0x9FFFFFFF  }
0xc4: {  	(tm) =	ssettm $0x7FFFFFFF  }
0xc5: {  	_ =	shalt  }
tec
execute0_lowered:
.L_overlay_start_1:
0x0: {  	(tag) =	ssettag $0x1  }
0x1: {  	s0 =	srdreg.scid  }
0x2: {  	s1 =	stileid.u32;
	s0 =	sand.u32 $0x1, s0  }
0x3: {  	s1 =	sor.u32 s1, s0  }
0x4: {  	p0 =	sne.s32 s1, $0x0  }
.Ltmp0:
0x5: {  	_ = 	snop;
	(pc) =	sbr.rel @p0 .LBB2_5-.Ltmp0, $2  }
0x6: {  	_ =	sdelay $0x2  }
0x7: {  	s3 =	rddreg [dreg:$0x1];
	_ =	strace $0x80000047  }
0x8: {  	s5 =	sadd.s32 $0x400, s3;
	s6 =	sadd.s32 $0x800, s3;
	s7 =	sadd.s32 $0xC00, s3  }
0x9: {  	s8 =	sadd.s32 $0x1000, s3;
	s9 =	sadd.s32 $0x1400, s3;
	s10 =	sadd.s32 $0x1800, s3  }
0xa: {  	s11 =	sadd.s32 $0x1A00, s3;
	s12 =	sadd.s32 $0x1E00, s3;
	s0 =	ssub.s32 $0x2, s0  }
0xb: {  	s13 =	sadd.s32 $0x2200, s3;
	s14 =	sadd.s32 $0x2600, s3;
	s15 =	sadd.s32 $0x2A00, s3  }
0xc: {  	s17 =	simm.s32 $0x0;
	s18 =	simm.s32 $0x4E80;
	s19 =	simm.s32 $0xC980  }
0xd: {  	s20 =	simm.s32 $0x1;
	s24 =	simm.s32 $0xA000;
	s25 =	simm.s32 $0xB480  }
0xe: {  	s26 =	simm.s32 $0xC900;
	s28 =	simm.s32 $0xDD80;
	s29 =	simm.s32 $0xF180  }
0xf: {  	v0 =	vlaneseq.u32;
	s30 =	simm.s32 $0x10580;
	s31 =	simm.s32 $0x11980;
	s1 =	sshrl.u32 s0, $0x1  }
0x10: {  	s2 =	simm.s32 $0x12D80;
	v1 =	vor.u32 $0x80000010, v0;
	v2 =	vor.u32 $0x80000000, v0;
	s16 =	ssub.s32 s0, s1;
	s0 =	simm.s32 $0x0  }
.LBB2_2:
0x11: {  	s1 =	rddreg [dreg:$0x0]  }
0x12: {  	[tilespmem:s17], [sflag:$0x1] =	stream.linear.gather [hbm4b:s1+s17], $0x4E80, $0x38;
	[tilespmem:$0x14180] =	vst v63  }
0x13: {  	_ = 	snop  }
0x14: {  	[tilespmem:s18], [sflag:$0x1] =	stream.linear.gather [hbm4b:s3+s17], $0x1400, $0x38;
	[tilespmem:$0x14180] =	vst v63  }
0x15: {  	s23 =	rddreg [dreg:$0x2]  }
0x16: {  	[tilespmem:s19], [sflag:$0x1] =	stream.linear.gather [hbm4b:s23+s17], $0x1400, $0x38;
	[tilespmem:$0x14180] =	vst v63  }
0x17: {  	_ =	swait.ge [sflag:s20], $0x4E80  }
0x18: {  	[sflag:s20] =	ssyncset.done $0x0  }
0x19: {  	[sflag:s20] =	ssyncadd.s32 $0xFFFFB180  }
0x1a: {  	_ =	swait.ge [sflag:s20], $0x1400  }
0x1b: {  	[sflag:s20] =	ssyncset.done $0x0  }
0x1c: {  	[sflag:s20] =	ssyncadd.s32 $0xFFFFEC00  }
0x1d: {  	_ =	swait.ge [sflag:s20], $0x1400  }
0x1e: {  	s4 =	simm.s32 $0x0;
	[sflag:s20] =	ssyncset.done $0x0  }
0x1f: {  	s21 =	simm.s32 $0x0;
	s1 =	simm.s32 $0x0;
	[sflag:s20] =	ssyncadd.s32 $0xFFFFEC00  }
.LBB2_3:
0x20: {  	s22 =	sshra.s32 s4, $0x2  }
0x21: {  	v3 =	vld [tilespmem:s22+$0x4E80];
	_ =	sdelay $0x4  }
0x22: {  	v4 =	vshll.u32 v3, $0x2  }
0x23: {  	v5 =	vor.u32 $0x1, v4  }
0x24: {  	v6 =	vor.u32 $0x2, v4  }
0x25: {  	v7 =	vor.u32 $0x3, v4;
	_ =	sdelay $0x1  }
0x26: {  	v4 =	vld.idx.msk [tilespmem:v4+s17+$0x0], $0xffff  }
0x27: {  	v5 =	vld.idx.msk [tilespmem:v5+s17+$0x0], $0xffff  }
0x28: {  	v6 =	vld.idx.msk [tilespmem:v6+s17+$0x0], $0xffff  }
0x29: {  	v7 =	vld.idx.msk [tilespmem:v7+s17+$0x0], $0xffff;
	_ =	sdelay $0x4  }
0x2a: {  	v8 =	vsub.f32 v6, v4;
	v9 =	vsub.f32 v7, v5;
	_ =	sdelay $0x1  }
0x2b: {  	v8 =	vmax.f32 v8, $0.0e+00;
	v9 =	vmax.f32 v9, $0.0e+00  }
0x2c: {  	v8 =	vmul.f32 v9, v8;
	_ =	sdelay $0x1  }
0x2d: {  	vm0 =	vgt.f32 v8, $0.0e+00  }
0x2e: {  	v8 =	vsel vm0, v2, v1  }
0x2f: {  	(xrf1) =	vsort.ascd.msk.u32 $0xffff, v8, v0;
	_ =	sdelay $0x9  }
0x30: {  	[tilespmem:s22+$0xDD80] =	vst v4  }
0x31: {  	[tilespmem:s22+$0xF180] =	vst v5  }
0x32: {  	[tilespmem:s22+$0x10580] =	vst v6  }
0x33: {  	[tilespmem:s22+$0x11980] =	vst v7  }
0x34: {  	v3 =	vld.idx.msk [tilespmem:v3+s19+$0x0], $0xffff;
	_, v49, _ =	vpop (xrf1)  }
0x35: {  	v4 =	vadd.s32 s1, v49;
	_ =	sdelay $0x3  }
0x36: {  	[tilespmem:s22+$0x12D80] =	vst v3  }
0x37: {  	v3 =	vld.idx.msk [tilespmem:v4+s18+$0x0], $0xffff;
	_ =	sdelay $0x4  }
0x38: {  	v3 =	vshll.u32 v3, $0x2;
	_ =	sdelay $0x4  }
0x39: {  	v5 =	vld.idx.msk [tilespmem:v3+s17+$0x0], $0xffff  }
0x3a: {  	v50 =	vor.u32 $0x1, v3;
	_ =	sdelay $0x3  }
0x3b: {  	[tilespmem:s21+$0x6280] =	vst v5  }
0x3c: {  	v5 =	vld.idx.msk [tilespmem:v50+s17+$0x0], $0xffff  }
0x3d: {  	v51 =	vor.u32 $0x2, v3;
	_ =	sdelay $0x3  }
0x3e: {  	[tilespmem:s21+$0x7700] =	vst v5  }
0x3f: {  	v5 =	vld.idx.msk [tilespmem:v51+s17+$0x0], $0xffff  }
0x40: {  	v3 =	vor.u32 $0x3, v3;
	_ =	sdelay $0x3  }
0x41: {  	[tilespmem:s21+$0x8B80] =	vst v5  }
0x42: {  	v3 =	vld.idx.msk [tilespmem:v3+s17+$0x0], $0xffff;
	_ =	sdelay $0x3  }
0x43: {  	[tilespmem:s21+$0xB480] =	vst v4  }
0x44: {  	[tilespmem:s21+$0xA000] =	vst v3  }
0x45: {  	v3 =	vld [tilespmem:s22+$0x4E90];
	_ =	sdelay $0x4  }
0x46: {  	v52 =	vshll.u32 v3, $0x2  }
0x47: {  	v53 =	vor.u32 $0x1, v52  }
0x48: {  	v54 =	vor.u32 $0x2, v52  }
0x49: {  	v55 =	vor.u32 $0x3, v52;
	_ =	sdelay $0x1  }
0x4a: {  	v4 =	vld.idx.msk [tilespmem:v52+s17+$0x0], $0xffff  }
0x4b: {  	v5 =	vld.idx.msk [tilespmem:v53+s17+$0x0], $0xffff  }
0x4c: {  	v6 =	vld.idx.msk [tilespmem:v54+s17+$0x0], $0xffff  }
0x4d: {  	v7 =	vld.idx.msk [tilespmem:v55+s17+$0x0], $0xffff;
	_ =	sdelay $0x4  }
0x4e: {  	v56 =	vsub.f32 v6, v4;
	v57 =	vsub.f32 v7, v5;
	_ =	sdelay $0x1  }
0x4f: {  	v8 =	vmax.f32 v56, $0.0e+00;
	v9 =	vmax.f32 v57, $0.0e+00  }
0x50: {  	v8 =	vmul.f32 v9, v8;
	_ =	sdelay $0x1  }
0x51: {  	vm1 =	vgt.f32 v8, $0.0e+00  }
0x52: {  	v8 =	vsel vm1, v2, v1  }
0x53: {  	(xrf1) =	vsort.ascd.msk.u32 $0xffff, v8, v0;
	_ =	sdelay $0x9  }
0x54: {  	[tilespmem:s22+$0xDD90] =	vst v4  }
0x55: {  	[tilespmem:s22+$0xF190] =	vst v5  }
0x56: {  	[tilespmem:s22+$0x10590] =	vst v6  }
0x57: {  	[tilespmem:s22+$0x11990] =	vst v7  }
0x58: {  	s23 =	sadd.s32 $0x10, s1;
	v3 =	vld.idx.msk [tilespmem:v3+s19+$0x0], $0xffff;
	_, v58, _ =	vpop (xrf1)  }
0x59: {  	v4 =	vadd.s32 s23, v58  }
0x5a: {  	v59 =	vmpcnt.ones.xlane vm0;
	_ =	sdelay $0x1  }
0x5b: {  	(v2sf) =	vpush v59, $0x0  }
0x5c: {  	[tilespmem:s22+$0x12D90] =	vst v3  }
0x5d: {  	v3 =	vld.idx.msk [tilespmem:v4+s18+$0x0], $0xffff;
	_ =	sdelay $0x4  }
0x5e: {  	v3 =	vshll.u32 v3, $0x2;
	_ =	sdelay $0x4  }
0x5f: {  	v60 =	vld.idx.msk [tilespmem:v3+s17+$0x0], $0xffff  }
0x60: {  	v61 =	vor.u32 $0x1, v3;
	_ =	sdelay $0x1  }
0x61: {  	s23 =	spop (v2sf)  }
0x62: {  	s22 =	sadd.s32 s21, s23  }
0x63: {  	v62 =	vmpcnt.ones.xlane vm1;
	[tilespmem:s22+$0x6280] =	vst v60  }
0x64: {  	v5 =	vld.idx.msk [tilespmem:v61+s17+$0x0], $0xffff  }
0x65: {  	(v2sf) =	vpush v62, $0x0;
	v63 =	vor.u32 $0x2, v3;
	_ =	sdelay $0x3  }
0x66: {  	[tilespmem:s22+$0x7700] =	vst v5  }
0x67: {  	v5 =	vld.idx.msk [tilespmem:v63+s17+$0x0], $0xffff  }
0x68: {  	v3 =	vor.u32 $0x3, v3;
	_ =	sdelay $0x3  }
0x69: {  	[tilespmem:s22+$0x8B80] =	vst v5  }
0x6a: {  	p0 =	sne.s32 s4, $0x4F80;
	v3 =	vld.idx.msk [tilespmem:v3+s17+$0x0], $0xffff  }
.Ltmp1:
0x6b: {  	_ = 	snop;
	(pc) =	sbr.rel @p0 .LBB2_3-.Ltmp1, $3  }
0x6c: {  	_ =	sdelay $0x1  }
0x6d: {  	s23 =	spop (v2sf);
	[tilespmem:s22+$0xB480] =	vst v4  }
0x6e: {  	s4 =	sadd.s32 $0x80, s4;
	s1 =	sadd.s32 $0x20, s1;
	s21 =	sadd.s32 s22, s23;
	[tilespmem:s22+$0xA000] =	vst v3  }
0x6f: {  	v3 =	vmov s21  }
0x70: {  	s1 =	simm.s32 $0x6280;
	[tilespmem:$0xC900] =	vst v3  }
0x71: {  	[hbm4b:s5+s17] =	stream.linear.scatter [tilespmem:s1], [sflag:$0x1], $0x1400, $0x38;
	[tilespmem:$0x14180] =	vst v63  }
0x72: {  	s22 =	simm.s32 $0x7700  }
0x73: {  	[hbm4b:s6+s17] =	stream.linear.scatter [tilespmem:s22], [sflag:$0x1], $0x1400, $0x38;
	[tilespmem:$0x14180] =	vst v63  }
0x74: {  	s23 =	simm.s32 $0x8B80  }
0x75: {  	[hbm4b:s7+s17] =	stream.linear.scatter [tilespmem:s23], [sflag:$0x1], $0x1400, $0x38;
	[tilespmem:$0x14180] =	vst v63  }
0x76: {  	_ = 	snop  }
0x77: {  	[hbm4b:s8+s17] =	stream.linear.scatter [tilespmem:s24], [sflag:$0x1], $0x1400, $0x38;
	[tilespmem:$0x14180] =	vst v63  }
0x78: {  	_ = 	snop  }
0x79: {  	[hbm4b:s9+s17] =	stream.linear.scatter [tilespmem:s25], [sflag:$0x1], $0x1400, $0x38;
	[tilespmem:$0x14180] =	vst v63  }
0x7a: {  	_ = 	snop  }
0x7b: {  	[hbm4b:s10+s17] =	stream.linear.scatter [tilespmem:s26], [sflag:$0x1], $0x80, $0x38;
	[tilespmem:$0x14180] =	vst v63  }
0x7c: {  	_ = 	snop  }
0x7d: {  	[hbm4b:s11+s17] =	stream.linear.scatter [tilespmem:s28], [sflag:$0x1], $0x1400, $0x38;
	[tilespmem:$0x14180] =	vst v63  }
0x7e: {  	_ = 	snop  }
0x7f: {  	[hbm4b:s12+s17] =	stream.linear.scatter [tilespmem:s29], [sflag:$0x1], $0x1400, $0x38;
	[tilespmem:$0x14180] =	vst v63  }
0x80: {  	_ = 	snop  }
0x81: {  	[hbm4b:s13+s17] =	stream.linear.scatter [tilespmem:s30], [sflag:$0x1], $0x1400, $0x38;
	[tilespmem:$0x14180] =	vst v63  }
0x82: {  	_ = 	snop  }
0x83: {  	[hbm4b:s14+s17] =	stream.linear.scatter [tilespmem:s31], [sflag:$0x1], $0x1400, $0x38;
	[tilespmem:$0x14180] =	vst v63  }
0x84: {  	_ = 	snop  }
0x85: {  	[hbm4b:s15+s17] =	stream.linear.scatter [tilespmem:s2], [sflag:$0x1], $0x1400, $0x38;
	[tilespmem:$0x14180] =	vst v63  }
0x86: {  	_ =	swait.ge [sflag:s20], $0x1400  }
0x87: {  	[sflag:s20] =	ssyncset.done $0x0  }
0x88: {  	[sflag:s20] =	ssyncadd.s32 $0xFFFFEC00  }
0x89: {  	_ =	swait.ge [sflag:s20], $0x1400  }
0x8a: {  	[sflag:s20] =	ssyncset.done $0x0  }
0x8b: {  	[sflag:s20] =	ssyncadd.s32 $0xFFFFEC00  }
0x8c: {  	_ =	swait.ge [sflag:s20], $0x1400  }
0x8d: {  	[sflag:s20] =	ssyncset.done $0x0  }
0x8e: {  	[sflag:s20] =	ssyncadd.s32 $0xFFFFEC00  }
0x8f: {  	_ =	swait.ge [sflag:s20], $0x1400  }
0x90: {  	[sflag:s20] =	ssyncset.done $0x0  }
0x91: {  	[sflag:s20] =	ssyncadd.s32 $0xFFFFEC00  }
0x92: {  	_ =	swait.ge [sflag:s20], $0x1400  }
0x93: {  	[sflag:s20] =	ssyncset.done $0x0  }
0x94: {  	[sflag:s20] =	ssyncadd.s32 $0xFFFFEC00  }
0x95: {  	_ =	swait.ge [sflag:s20], $0x80  }
0x96: {  	[sflag:s20] =	ssyncset.done $0x0  }
0x97: {  	[sflag:s20] =	ssyncadd.s32 $0xFFFFFF80  }
0x98: {  	_ =	swait.ge [sflag:s20], $0x1400  }
0x99: {  	[sflag:s20] =	ssyncset.done $0x0  }
0x9a: {  	[sflag:s20] =	ssyncadd.s32 $0xFFFFEC00  }
0x9b: {  	_ =	swait.ge [sflag:s20], $0x1400  }
0x9c: {  	[sflag:s20] =	ssyncset.done $0x0  }
0x9d: {  	[sflag:s20] =	ssyncadd.s32 $0xFFFFEC00  }
0x9e: {  	_ =	swait.ge [sflag:s20], $0x1400  }
0x9f: {  	[sflag:s20] =	ssyncset.done $0x0  }
0xa0: {  	s0 =	sadd.s32 $0x1, s0;
	[sflag:s20] =	ssyncadd.s32 $0xFFFFEC00  }
0xa1: {  	p0 =	sne.s32 s0, s16;
	_ =	swait.ge [sflag:s20], $0x1400  }
.Ltmp2:
0xa2: {  	[sflag:s20] =	ssyncset.done $0x0;
	(pc) =	sbr.rel @p0 .LBB2_2-.Ltmp2, $4  }
0xa3: {  	[sflag:s20] =	ssyncadd.s32 $0xFFFFEC00  }
0xa4: {  	_ =	swait.ge [sflag:s20], $0x1400  }
0xa5: {  	[sflag:s20] =	ssyncset.done $0x0  }
0xa6: {  	[sflag:s20] =	ssyncadd.s32 $0xFFFFEC00  }
.LBB2_5:
0xa7: {  	_ =	sfence.sel $0x180000  }
0xa8: {  	[bflag:$0x0] =	sbarrier.arrive $0xFFFF  }
0xa9: {  	_ =	strace $0x90000047  }
0xaa: {  	s0 =	stileid.u32;
	[bflag:$0x2] =	sbarrier.arrive $0xFFFF  }
0xab: {  	p0 =	sne.s32 s0, $0x0;
	s0 =	rddreg [dreg:$0x3]  }
0xac: {  	s0 =	sadd.s32 @!p0 $0x100000, s0  }
0xad: {  	[sflag:s0] =	ssyncadd.tile.s32 @!p0 $0x1;
	_ =	shalt  }
.Lfunc_end2:
_tile_overlayer_lowered:
.L_overlay_start_2:
0xae: {  	(tag) =	ssettag $0x2  }
0xaf: {  	s0 =	rddreg [dreg:$0x0];
	s2 =	stileid.u32  }
0xb0: {  	s1 =	rddreg [dreg:$0x1];
	p0 =	sne.s32 s2, $0x0  }
0xb1: {  	s3 =	rddreg [dreg:$0x2];
	[bflag:$0x3] =	sbarrier.arrive $0xFFFF;
	s2 =	simm.s32 @!p0 $0x1C02  }
0xb2: {  	[timem:s3], [sflag:s2] =	dma.local @!p0 [hbm:s0], s1  }
0xb3: {  	s0 =	simm.s32 @!p0 $0x2  }
0xb4: {  	_ =	swait.ge @!p0 [sflag:s0], s1  }
0xb5: {  	s1 =	ssub.s32 @!p0 $0x0, s1;
	[sflag:s0] =	ssyncset.done @!p0 $0x0  }
0xb6: {  	[sflag:s0] =	ssyncadd.s32 @!p0 s1  }
0xb7: {  	[bflag:$0x3] =	sbarrier.arrive $0xFFFF  }
0xb8: {  	_ =	shalt  }

// kernel: kernel.8.cloned.1.call-start
scs
__scs_entry_jumppad:
0x0: {  	(pc) =	sbr.rel $0x88, $3  }
0x1: {  	(tag) =	ssettag $0x0;
	lr =	simm.s32 $0x1  }
0x2: {  	[smem:$0x3F9F] =	sst lr;
	_ =	strace $0xD0000000  }
0x3: {  	_ = 	snop  }
0x4: {  	_ = 	snop  }
0x5: {  	_ = 	snop  }
0x6: {  	_ = 	snop  }
0x7: {  	_ = 	snop  }
__scs_overlays_trampoline_lowered:
0x8: {  	[smem:$0x3FAE] =	sst s0  }
0x9: {  	[smem:$0x3FAF] =	sst s1  }
0xa: {  	[smem:$0x3FB0] =	sst s2  }
0xb: {  	[smem:$0x3FB1] =	sst s3  }
0xc: {  	[smem:$0x3FB2] =	sst s4  }
0xd: {  	[smem:$0x3FB3] =	sst s5  }
0xe: {  	[smem:$0x3FB4] =	sst s6  }
0xf: {  	[smem:$0x3FB5] =	sst s7  }
0x10: {  	[smem:$0x3FB6] =	sst s8  }
0x11: {  	[smem:$0x3FB7] =	sst s9;
	s0 =	simm.s32 @!p0 $0x0  }
0x12: {  	s1 =	sld [smem:$0x3F9D];
	s0 =	simm.s32 @p0 $0x1  }
0x13: {  	[smem:$0x3FB8] =	sst s0;
	s0 =	simm.s32 @!p1 $0x0  }
0x14: {  	s2 =	sld [smem:$0x3F9C];
	s0 =	simm.s32 @p1 $0x1  }
0x15: {  	[smem:$0x3FB9] =	sst s0;
	s0 =	simm.s32 @!p2 $0x0  }
0x16: {  	s3 =	sld [smem:$0x3FDB];
	s0 =	simm.s32 @p2 $0x1  }
0x17: {  	s4 =	simm.s32 $0x1BF5;
	[smem:$0x3FBB] =	sst s0  }
0x18: {  	s0 =	sld [smem:$0x3F9E];
	_ =	swait.ge [sflag:s4], $0x0  }
0x19: {  	s7 =	sld [smem:$0x3F9F]  }
0x1a: {  	s8 =	sadd.s32 $0xFFFFE003, lr  }
0x1b: {  	s9 =	sadd.s32 $0xFFFFFEF7, lr;
	s5 =	simm.s32 $0xFFFFFFFF;
	p2 =	slt.u32 s8, $0xFFFFF086  }
0x1c: {  	p1 =	slt.u32 s9, $0xF7A;
	s5 =	simm.s32 @!p2 $0x0  }
0x1d: {  	s5 =	simm.s32 @p1 $0x1;
	p0 =	seq.s32 s7, s2  }
0x1e: {  	s7 =	smul.u32 @!p0 $0xF7A, s2;
	p2 =	seq.s32 @!p0 s5, $0x0  }
0x1f: {  	s9 =	smul.u32 $0xF7A, s1;
	s8 =	simm.s32 @!p0 $0x1BF5;
	p2 =	por !p2, p0  }
0x20: {  	[sflag:s8] =	ssyncset.s32 @!p0 $0xFFFFF086;
	s6 =	sadd.s32 @!p0 s3, s7;
	s7 =	simm.s32 @!p0 $0x108  }
0x21: {  	s3 =	sadd.s32 s3, s9;
	s6 =	sadd.s32 @!p0 $0x88, s6;
	s7 =	simm.s32 @p2 $0x1082  }
0x22: {  	[simem:s7], [sflag:s8] =	dma.local @!p0 [hbm:s6], $0xF7A  }
0x23: {  	s9 =	sor.u32 $0xD0000000, s2;
	s6 =	simm.s32 $0x108;
	_ =	swait.ge @!p0 [sflag:s8], $0x0  }
0x24: {  	s3 =	sadd.s32 $0x88, s3;
	s6 =	simm.s32 @!p1 $0x1082;
	[sflag:s4] =	ssyncset.s32 $0xFFFFF086  }
0x25: {  	[simem:s6], [sflag:s4] =	dma.local [hbm:s3], $0xF7A  }
0x26: {  	[smem:$0x3F9F] =	sst s1;
	(tag) =	ssettag s2;
	_ =	strace s9  }
0x27: {  	s1 =	sld [smem:$0x3FAF]  }
0x28: {  	s2 =	sld [smem:$0x3FB0]  }
0x29: {  	s4 =	sld [smem:$0x3FB2]  }
0x2a: {  	p0 =	seq.s32 s5, $0x0;
	s5 =	sld [smem:$0x3FB3]  }
0x2b: {  	s6 =	sld [smem:$0x3FB4]  }
0x2c: {  	s7 =	sld [smem:$0x3FB5]  }
0x2d: {  	s3 =	simm.s32 $0x108;
	s8 =	sld [smem:$0x3FB6]  }
0x2e: {  	s3 =	simm.s32 @!p0 $0x1082;
	s9 =	sld [smem:$0x3FB7]  }
0x2f: {  	lr =	sadd.s32 s0, s3;
	s0 =	sld [smem:$0x3FAE]  }
0x30: {  	s3 =	sld [smem:$0x3FB1]  }
0x31: {  	[smem:$0x3FBA] =	sst s10  }
0x32: {  	s10 =	sld [smem:$0x3FB8];
	_ =	sdelay $0x3  }
0x33: {  	p0 =	seq.s32 s10, $0x1;
	s10 =	sld [smem:$0x3FBA];
	_ =	sdelay $0x3  }
0x34: {  	[smem:$0x3FBA] =	sst s10  }
0x35: {  	s10 =	sld [smem:$0x3FB9];
	_ =	sdelay $0x3  }
0x36: {  	p1 =	seq.s32 s10, $0x1;
	s10 =	sld [smem:$0x3FBA];
	_ =	sdelay $0x3  }
0x37: {  	[smem:$0x3FBA] =	sst s10  }
0x38: {  	s10 =	sld [smem:$0x3FBB]  }
0x39: {  	_ = 	snop;
	(pc) =	sbr.ind lr, $3  }
0x3a: {  	_ = 	snop  }
0x3b: {  	_ = 	snop  }
0x3c: {  	p2 =	seq.s32 s10, $0x1;
	s10 =	sld [smem:$0x3FBA]  }
0x3d: {  	_ =	shalt  }
0x3e: {  	_ =	shalt  }
0x3f: {  	_ =	shalt  }
0x40: {  	_ =	shalt  }
0x41: {  	_ =	shalt  }
0x42: {  	_ =	shalt  }
0x43: {  	_ =	shalt  }
0x44: {  	_ =	shalt  }
0x45: {  	_ =	shalt  }
0x46: {  	_ =	shalt  }
0x47: {  	_ =	shalt  }
0x48: {  	_ =	shalt  }
0x49: {  	_ =	shalt  }
0x4a: {  	_ =	shalt  }
0x4b: {  	_ =	shalt  }
0x4c: {  	_ =	shalt  }
0x4d: {  	_ =	shalt  }
0x4e: {  	_ =	shalt  }
0x4f: {  	_ =	shalt  }
0x50: {  	_ =	shalt  }
0x51: {  	_ =	shalt  }
0x52: {  	_ =	shalt  }
0x53: {  	_ =	shalt  }
0x54: {  	_ =	shalt  }
0x55: {  	_ =	shalt  }
0x56: {  	_ =	shalt  }
0x57: {  	_ =	shalt  }
0x58: {  	_ =	shalt  }
0x59: {  	_ =	shalt  }
0x5a: {  	_ =	shalt  }
0x5b: {  	_ =	shalt  }
0x5c: {  	_ =	shalt  }
0x5d: {  	_ =	shalt  }
0x5e: {  	_ =	shalt  }
0x5f: {  	_ =	shalt  }
0x60: {  	_ =	shalt  }
0x61: {  	_ =	shalt  }
0x62: {  	_ =	shalt  }
0x63: {  	_ =	shalt  }
0x64: {  	_ =	shalt  }
0x65: {  	_ =	shalt  }
0x66: {  	_ =	shalt  }
0x67: {  	_ =	shalt  }
0x68: {  	_ =	shalt  }
0x69: {  	_ =	shalt  }
0x6a: {  	_ =	shalt  }
0x6b: {  	_ =	shalt  }
0x6c: {  	_ =	shalt  }
0x6d: {  	_ =	shalt  }
0x6e: {  	_ =	shalt  }
0x6f: {  	_ =	shalt  }
0x70: {  	_ =	shalt  }
0x71: {  	_ =	shalt  }
0x72: {  	_ =	shalt  }
0x73: {  	_ =	shalt  }
0x74: {  	_ =	shalt  }
0x75: {  	_ =	shalt  }
0x76: {  	_ =	shalt  }
0x77: {  	_ =	shalt  }
0x78: {  	_ =	shalt  }
0x79: {  	_ =	shalt  }
0x7a: {  	_ =	shalt  }
0x7b: {  	_ =	shalt  }
0x7c: {  	_ =	shalt  }
0x7d: {  	_ =	shalt  }
0x7e: {  	_ =	shalt  }
0x7f: {  	_ =	shalt  }
0x80: {  	_ =	shalt  }
0x81: {  	_ =	shalt  }
0x82: {  	_ =	shalt  }
0x83: {  	_ =	shalt  }
0x84: {  	_ =	shalt  }
0x85: {  	_ =	shalt  }
0x86: {  	_ =	shalt  }
0x87: {  	_ =	shalt  }
.Lfunc_end0:
.L_simem_size_0:
called_computation.1_lowered:
.L_overlay_start_0:
0x88: {  	s2 =	sld [smem:$0x3FD9]  }
0x89: {  	s3 =	sld [smem:$0x3FFE];
	_ =	sdelay $0x1  }
0x8a: {  	s1 =	srdreg.scid  }
0x8b: {  	s0 =	sand.u32 $0x1, s1  }
0x8c: {  	s17 =	sshll.u32 s0, $0xA;
	s2 =	sadd.s32 s3, s2  }
0x8d: {  	s2 =	sadd.s32 s2, s17  }
0x8e: {  	[smem:$0x3FC6] =	sst s2  }
0x8f: {  	_ = 	snop  }
0x90: {  	s2 =	sld [smem:$0x3FD0];
	(tm) =	ssettm $0x1  }
0x91: {  	s18 =	sld [smem:$0x3FFB];
	_ =	sdelay $0x3  }
0x92: {  	_ =	strace s18  }
0x93: {  	s3 =	sld [smem:$0x3FFC];
	_ =	sdelay $0x3  }
0x94: {  	_ =	strace s3  }
0x95: {  	s3 =	sld [smem:$0x3FFD];
	_ =	sdelay $0x3  }
0x96: {  	_ =	strace s3  }
0x97: {  	_ =	strace $0x8FFFFFFF  }
0x98: {  	s19 =	sld [smem:$0x3FDB];
	_ =	sdelay $0x1  }
0x99: {  	s4 =	simm.s32 $_scs_section_size  }
0x9a: {  	s5 =	simm.s32 $_size__tile_overlayer_lowered;
	s6 =	simm.s32 $_tile_overlayer_lowered  }
0x9b: {  	s22 =	simm.s32 $0x1BFF;
	s21 =	sshll.u32 s6, $0x1;
	s3 =	sadd.s32 s4, s19  }
0x9c: {  	s7 =	simm.s32 $0x0;
	s20 =	sshll.u32 s5, $0x1;
	s5 =	sadd.s32 s21, s3  }
0x9d: {  	[timem:s7], [sflag:s22] =	dma.local [hbm:s5], s20  }
0x9e: {  	_ =	swait.ge [sflag:s22], s20  }
0x9f: {  	s4 =	ssub.s32 $0x0, s20;
	[sflag:s22] =	ssyncset.done $0x0  }
0xa0: {  	[sflag:s22] =	ssyncadd.s32 s4;
	_ =	sdelay $0x1  }
0xa1: {  	s23 =	simm.s32 $0x1B8B  }
0xa2: {  	_ =	swait.ge [sflag:s23], $0x1  }
0xa3: {  	[sflag:s23] =	ssyncset.done $0x0  }
0xa4: {  	s25 =	simm.s32 $0x1B8E;
	s24 =	sld [smem:$0x3FFE];
	[sflag:s23] =	ssyncadd.s32 $0xFFFFFFFF  }
0xa5: {  	s26 =	simm.s32 $execute0_lowered;
	[smem:$0x3FD2] =	sst s25  }
0xa6: {  	s5 =	sshll.u32 s26, $0x1;
	_ =	strace $0x80000049;
	[dreg:$0x1] =	wrdreg $0xFFFFFFFF  }
0xa7: {  	s28 =	simm.s32 $_size_execute0_lowered;
	s3 =	sadd.s32 s3, s5;
	[dreg:$0x0] =	wrdreg $0x0  }
0xa8: {  	s5 =	sshll.u32 s28, $0x1;
	[dreg:$0x2] =	wrdreg s3  }
0xa9: {  	[dreg:$0x3] =	wrdreg s5  }
0xaa: {  	[dreg:$0x4] =	wrdreg $0xC0  }
0xab: {  	_ =	task [dreg:s7], $0x5FFFF  }
0xac: {  	[dreg:$0x1] =	wrdreg $0xFFFFFFFF  }
0xad: {  	[dreg:$0x0] =	wrdreg $0x60  }
0xae: {  	[dreg:$0x2] =	wrdreg s24  }
0xaf: {  	[dreg:$0x3] =	wrdreg s2  }
0xb0: {  	[dreg:$0x4] =	wrdreg $0x9  }
0xb1: {  	_ =	task.clear_ibuf [dreg:s7], $0x5FFFF;
	_ =	strace $0x90000049  }
0xb2: {  	s29 =	simm.s32 $0x9;
	_ =	strace $0x8000004B  }
0xb3: {  	_ =	swait.ge [sflag:s29], $0x1  }
0xb4: {  	[sflag:s29] =	ssyncadd.s32 $0xFFFFFFFF  }
0xb5: {  	_ =	strace $0x9000004B  }
0xb6: {  	_ =	sfence  }
0xb7: {  	s30 =	sld [smem:$0x0];
	_ =	sdelay $0x2  }
0xb8: {  	s31 =	sshll.u32 s1, $0xD;
	s1 =	sshrl.u32 s1, $0x2  }
0xb9: {  	s3 =	sand.u32 $0x4000, s31;
	s1 =	sadd.s32 s1, s30  }
0xba: {  	s0 =	sor.u32 s3, s0;
	s1 =	sshll.u32 s1, $0x11  }
0xbb: {  	s0 =	sor.u32 s1, s0  }
0xbc: {  	s0 =	sadd.s32 $0x8F2B, s0  }
0xbd: {  	[sflag:s0] =	ssyncadd.remote.s32 $0x1  }
0xbe: {  	_ =	sfence.sel $0xFFFF  }
0xbf: {  	[dreg:$0x0] =	wrdreg $0xFFFFFFFF;
	(pc) =	sbr.abs _section_cstart, $3  }
0xc0: {  	[dreg:$0x1] =	wrdreg $0xFFFFFFFF  }
0xc1: {  	_ =	task.clear_ibuf [dreg:s7], $0x2FFFF;
	_ =	strace $0x9FFFFFFF  }
0xc2: {  	(tm) =	ssettm $0x7FFFFFFF  }
0xc3: {  	_ =	shalt  }
tec
execute0_lowered:
.L_overlay_start_1:
0x0: {  	(tag) =	ssettag $0x1  }
0x1: {  	s0 =	srdreg.scid;
	s1 =	rddreg [dreg:$0x0]  }
0x2: {  	s3 =	stileid.u32;
	s18 =	simm.s32 $0x1;
	s24 =	simm.s32 $0x1900  }
0x3: {  	s25 =	simm.s32 $0x2D00;
	s26 =	simm.s32 $0x2D80;
	s28 =	simm.s32 $0x4200  }
0x4: {  	s29 =	simm.s32 $0x4300;
	s30 =	simm.s32 $0x4400;
	s0 =	sand.u32 $0x1, s0  }
0x5: {  	s31 =	simm.s32 $0x4500;
	s5 =	sadd.s32 $0x1400, s1;
	s2 =	sshll.u32 s0, $0x4  }
0x6: {  	s0 =	ssub.s32 $0x2, s0;
	s2 =	sor.u32 s3, s2;
	s3 =	simm.s32 $0x0  }
0x7: {  	s8 =	sshrl.u32 s0, $0x1;
	s4 =	smul.u32 $0xA0, s2;
	[smem:$0x7FF] =	sst s3  }
0x8: {  	s7 =	sadd.s32 $0x1800, s1;
	s0 =	ssub.s32 s0, s8;
	_ =	strace $0x8000004A  }
.Ltmp0:
0x9: {  	s17 =	smax.u32 s0, $0x1;
	s2 =	sshrl.u32 s4, $0x3;
	(pc) =	sbr.rel .LBB2_1-.Ltmp0, $4  }
0xa: {  	s0 =	simm.s32 $0x0;
	s6 =	sadd.s32 s1, s2;
	s1 =	simm.s32 $0x4600  }
0xb: {  	s8 =	sadd.s32 $0x1A00, s6;
	s9 =	sadd.s32 $0x1E00, s6;
	s10 =	sadd.s32 $0x2200, s6  }
0xc: {  	s11 =	sadd.s32 $0x2600, s6;
	s12 =	sadd.s32 $0x2A00, s6;
	s13 =	sadd.s32 $0x280, s6  }
0xd: {  	v0 =	vimm.f32 $1.000000000e+00;
	v1 =	vlaneseq.u32;
	s14 =	sadd.s32 $0x500, s6;
	s15 =	sadd.s32 $0x780, s6;
	s16 =	sadd.s32 $0xA00, s6  }
.LBB2_5:
0xe: {  	s20 =	simm.s32 $0x0;
	s21 =	simm.s32 $0x500  }
.LBB2_9:
0xf: {  	s20 =	sadd.s32 @p0 $0x10, s20  }
0x10: {  	s19 =	smov.u32 @p0 s20  }
0x11: {  	v4 =	vor.u32 s19, v1;
	s19 =	sadd.s32 @p0 $0x10, s21  }
0x12: {  	vm0 =	vlt.s32 v4, v2;
	s2 =	smov.u32 @p0 s19  }
0x13: {  	v2 =	vnsel vm0, $0x1408, v3;
	v3 =	vld [tilespmem:s2+$0x0];
	_ =	sdelay $0x4  }
0x14: {  	[tilespmem:v2+s26+$0x0] =	vst.idx.msk $0xffff, v3  }
.LBB2_10:
0x15: {  	v2 =	vld [tilespmem:$0x400]  }
0x16: {  	v3 =	vld [tilespmem:s4+$0x2D80]  }
0x17: {  	v4 =	vld [tilespmem:$0x0]  }
0x18: {  	v5 =	vld [tilespmem:$0x100]  }
0x19: {  	v6 =	vld [tilespmem:$0x200]  }
0x1a: {  	v7 =	vld [tilespmem:$0x300];
	vm0 =	vgt.f32 v2, $2.000000030e-01  }
0x1b: {  	v3 =	vnsel vm0, $0x0, v3  }
0x1c: {  	v4 =	vmul.f32 v3, v4  }
0x1d: {  	v5 =	vmul.f32 v5, v3  }
0x1e: {  	v8 =	vmul.f32 v6, v3;
	[tilespmem:$0x4200] =	vst v4  }
0x1f: {  	v9 =	vmul.f32 v7, v3;
	[tilespmem:$0x4300] =	vst v5  }
0x20: {  	v2 =	vmul.f32 v3, v2;
	[tilespmem:$0x4400] =	vst v8  }
0x21: {  	[tilespmem:$0x4500] =	vst v9  }
0x22: {  	[tilespmem:$0x4600] =	vst v2;
	v2 =	vld [tilespmem:$0x410]  }
0x23: {  	v3 =	vld [tilespmem:s4+$0x2D90]  }
0x24: {  	v10 =	vld [tilespmem:$0x10]  }
0x25: {  	v11 =	vld [tilespmem:$0x110]  }
0x26: {  	v12 =	vld [tilespmem:$0x210]  }
0x27: {  	v13 =	vld [tilespmem:$0x310];
	vm7 =	vgt.f32 v2, $2.000000030e-01  }
0x28: {  	v3 =	vnsel vm7, $0x0, v3  }
0x29: {  	v4 =	vmul.f32 v3, v10  }
0x2a: {  	v5 =	vmul.f32 v11, v3  }
0x2b: {  	v14 =	vmul.f32 v12, v3;
	[tilespmem:$0x4210] =	vst v4  }
0x2c: {  	v15 =	vmul.f32 v13, v3;
	[tilespmem:$0x4310] =	vst v5  }
0x2d: {  	v2 =	vmul.f32 v3, v2;
	[tilespmem:$0x4410] =	vst v14  }
0x2e: {  	[tilespmem:$0x4510] =	vst v15  }
0x2f: {  	[tilespmem:$0x4610] =	vst v2;
	v2 =	vld [tilespmem:$0x420]  }
0x30: {  	v3 =	vld [tilespmem:s4+$0x2DA0]  }
0x31: {  	v16 =	vld [tilespmem:$0x20]  }
0x32: {  	v17 =	vld [tilespmem:$0x120]  }
0x33: {  	v18 =	vld [tilespmem:$0x220]  }
0x34: {  	v19 =	vld [tilespmem:$0x320];
	vm8 =	vgt.f32 v2, $2.000000030e-01  }
0x35: {  	v3 =	vnsel vm8, $0x0, v3  }
0x36: {  	v4 =	vmul.f32 v3, v16  }
0x37: {  	v5 =	vmul.f32 v17, v3  }
0x38: {  	v20 =	vmul.f32 v18, v3;
	[tilespmem:$0x4220] =	vst v4  }
0x39: {  	v21 =	vmul.f32 v19, v3;
	[tilespmem:$0x4320] =	vst v5  }
0x3a: {  	v2 =	vmul.f32 v3, v2;
	[tilespmem:$0x4420] =	vst v20  }
0x3b: {  	[tilespmem:$0x4520] =	vst v21  }
0x3c: {  	[tilespmem:$0x4620] =	vst v2;
	v2 =	vld [tilespmem:$0x430]  }
0x3d: {  	v3 =	vld [tilespmem:s4+$0x2DB0]  }
0x3e: {  	v22 =	vld [tilespmem:$0x30]  }
0x3f: {  	v23 =	vld [tilespmem:$0x130]  }
0x40: {  	v24 =	vld [tilespmem:$0x230]  }
0x41: {  	v25 =	vld [tilespmem:$0x330];
	vm9 =	vgt.f32 v2, $2.000000030e-01  }
0x42: {  	v3 =	vnsel vm9, $0x0, v3  }
0x43: {  	v4 =	vmul.f32 v3, v22  }
0x44: {  	v5 =	vmul.f32 v23, v3  }
0x45: {  	v26 =	vmul.f32 v24, v3;
	[tilespmem:$0x4230] =	vst v4  }
0x46: {  	v27 =	vmul.f32 v25, v3;
	[tilespmem:$0x4330] =	vst v5  }
0x47: {  	v2 =	vmul.f32 v3, v2;
	[tilespmem:$0x4430] =	vst v26  }
0x48: {  	[tilespmem:$0x4530] =	vst v27  }
0x49: {  	[tilespmem:$0x4630] =	vst v2;
	v2 =	vld [tilespmem:$0x440]  }
0x4a: {  	v3 =	vld [tilespmem:s4+$0x2DC0]  }
0x4b: {  	v28 =	vld [tilespmem:$0x40]  }
0x4c: {  	v29 =	vld [tilespmem:$0x140]  }
0x4d: {  	v30 =	vld [tilespmem:$0x240]  }
0x4e: {  	v31 =	vld [tilespmem:$0x340];
	vm10 =	vgt.f32 v2, $2.000000030e-01  }
0x4f: {  	v3 =	vnsel vm10, $0x0, v3  }
0x50: {  	v4 =	vmul.f32 v3, v28  }
0x51: {  	v5 =	vmul.f32 v29, v3  }
0x52: {  	v32 =	vmul.f32 v30, v3;
	[tilespmem:$0x4240] =	vst v4  }
0x53: {  	v33 =	vmul.f32 v31, v3;
	[tilespmem:$0x4340] =	vst v5  }
0x54: {  	v2 =	vmul.f32 v3, v2;
	[tilespmem:$0x4440] =	vst v32  }
0x55: {  	[tilespmem:$0x4540] =	vst v33  }
0x56: {  	[tilespmem:$0x4640] =	vst v2;
	v2 =	vld [tilespmem:$0x450]  }
0x57: {  	v3 =	vld [tilespmem:s4+$0x2DD0]  }
0x58: {  	v34 =	vld [tilespmem:$0x50]  }
0x59: {  	v35 =	vld [tilespmem:$0x150]  }
0x5a: {  	v36 =	vld [tilespmem:$0x250]  }
0x5b: {  	v37 =	vld [tilespmem:$0x350];
	vm11 =	vgt.f32 v2, $2.000000030e-01  }
0x5c: {  	v3 =	vnsel vm11, $0x0, v3  }
0x5d: {  	v4 =	vmul.f32 v3, v34  }
0x5e: {  	v5 =	vmul.f32 v35, v3  }
0x5f: {  	v38 =	vmul.f32 v36, v3;
	[tilespmem:$0x4250] =	vst v4  }
0x60: {  	v39 =	vmul.f32 v37, v3;
	[tilespmem:$0x4350] =	vst v5  }
0x61: {  	v2 =	vmul.f32 v3, v2;
	[tilespmem:$0x4450] =	vst v38  }
0x62: {  	[tilespmem:$0x4550] =	vst v39  }
0x63: {  	[tilespmem:$0x4650] =	vst v2;
	v2 =	vld [tilespmem:$0x460]  }
0x64: {  	v3 =	vld [tilespmem:s4+$0x2DE0]  }
0x65: {  	v40 =	vld [tilespmem:$0x60]  }
0x66: {  	v41 =	vld [tilespmem:$0x160]  }
0x67: {  	v42 =	vld [tilespmem:$0x260]  }
0x68: {  	v43 =	vld [tilespmem:$0x360];
	vm12 =	vgt.f32 v2, $2.000000030e-01  }
0x69: {  	v3 =	vnsel vm12, $0x0, v3  }
0x6a: {  	v4 =	vmul.f32 v3, v40  }
0x6b: {  	v5 =	vmul.f32 v41, v3  }
0x6c: {  	v44 =	vmul.f32 v42, v3;
	[tilespmem:$0x4260] =	vst v4  }
0x6d: {  	v45 =	vmul.f32 v43, v3;
	[tilespmem:$0x4360] =	vst v5  }
0x6e: {  	v2 =	vmul.f32 v3, v2;
	[tilespmem:$0x4460] =	vst v44  }
0x6f: {  	[tilespmem:$0x4560] =	vst v45  }
0x70: {  	[tilespmem:$0x4660] =	vst v2;
	v2 =	vld [tilespmem:$0x470]  }
0x71: {  	v3 =	vld [tilespmem:s4+$0x2DF0]  }
0x72: {  	v46 =	vld [tilespmem:$0x70]  }
0x73: {  	v47 =	vld [tilespmem:$0x170]  }
0x74: {  	v48 =	vld [tilespmem:$0x270]  }
0x75: {  	v49 =	vld [tilespmem:$0x370];
	vm13 =	vgt.f32 v2, $2.000000030e-01  }
0x76: {  	v3 =	vnsel vm13, $0x0, v3  }
0x77: {  	v4 =	vmul.f32 v3, v46  }
0x78: {  	v5 =	vmul.f32 v47, v3  }
0x79: {  	v50 =	vmul.f32 v48, v3;
	[tilespmem:$0x4270] =	vst v4  }
0x7a: {  	v51 =	vmul.f32 v49, v3;
	[tilespmem:$0x4370] =	vst v5  }
0x7b: {  	v2 =	vmul.f32 v3, v2;
	[tilespmem:$0x4470] =	vst v50  }
0x7c: {  	[tilespmem:$0x4570] =	vst v51  }
0x7d: {  	[tilespmem:$0x4670] =	vst v2;
	v2 =	vld [tilespmem:$0x480]  }
0x7e: {  	v3 =	vld [tilespmem:s4+$0x2E00]  }
0x7f: {  	v52 =	vld [tilespmem:$0x80]  }
0x80: {  	v53 =	vld [tilespmem:$0x180]  }
0x81: {  	v54 =	vld [tilespmem:$0x280]  }
0x82: {  	v55 =	vld [tilespmem:$0x380];
	vm14 =	vgt.f32 v2, $2.000000030e-01  }
0x83: {  	v3 =	vnsel vm14, $0x0, v3  }
0x84: {  	v4 =	vmul.f32 v3, v52  }
0x85: {  	v5 =	vmul.f32 v53, v3  }
0x86: {  	v56 =	vmul.f32 v54, v3;
	[tilespmem:$0x4280] =	vst v4  }
0x87: {  	v57 =	vmul.f32 v55, v3;
	[tilespmem:$0x4380] =	vst v5  }
0x88: {  	v2 =	vmul.f32 v3, v2;
	[tilespmem:$0x4480] =	vst v56  }
0x89: {  	[tilespmem:$0x4580] =	vst v57  }
0x8a: {  	[tilespmem:$0x4680] =	vst v2;
	v2 =	vld [tilespmem:$0x490]  }
0x8b: {  	v3 =	vld [tilespmem:s4+$0x2E10]  }
0x8c: {  	v58 =	vld [tilespmem:$0x90]  }
0x8d: {  	v59 =	vld [tilespmem:$0x190]  }
0x8e: {  	v60 =	vld [tilespmem:$0x290]  }
0x8f: {  	v61 =	vld [tilespmem:$0x390];
	vm15 =	vgt.f32 v2, $2.000000030e-01  }
0x90: {  	v3 =	vnsel vm15, $0x0, v3  }
0x91: {  	v4 =	vmul.f32 v3, v58  }
0x92: {  	v5 =	vmul.f32 v59, v3  }
0x93: {  	v62 =	vmul.f32 v60, v3;
	[tilespmem:$0x4290] =	vst v4  }
0x94: {  	v63 =	vmul.f32 v61, v3;
	[tilespmem:$0x4390] =	vst v5  }
0x95: {  	v2 =	vmul.f32 v3, v2;
	[tilespmem:$0x4490] =	vst v62  }
0x96: {  	[tilespmem:$0x4590] =	vst v63  }
0x97: {  	[tilespmem:$0x4690] =	vst v2  }
0x98: {  	[hbm4b:s6+s3] =	stream.linear.scatter [tilespmem:s28], [sflag:$0x1], $0xA0, $0x38;
	[tilespmem:$0x4700] =	vst v63  }
0x99: {  	_ =	swait.ge [sflag:s18], $0xA0  }
0x9a: {  	[sflag:s18] =	ssyncset.done $0x0  }
0x9b: {  	[sflag:s18] =	ssyncadd.s32 $0xFFFFFF60  }
0x9c: {  	[hbm4b:s13+s3] =	stream.linear.scatter [tilespmem:s29], [sflag:$0x1], $0xA0, $0x38;
	[tilespmem:$0x4700] =	vst v63  }
0x9d: {  	_ =	swait.ge [sflag:s18], $0xA0  }
0x9e: {  	[sflag:s18] =	ssyncset.done $0x0  }
0x9f: {  	[sflag:s18] =	ssyncadd.s32 $0xFFFFFF60  }
0xa0: {  	[hbm4b:s14+s3] =	stream.linear.scatter [tilespmem:s30], [sflag:$0x1], $0xA0, $0x38;
	[tilespmem:$0x4700] =	vst v63  }
0xa1: {  	_ =	swait.ge [sflag:s18], $0xA0  }
0xa2: {  	[sflag:s18] =	ssyncset.done $0x0  }
0xa3: {  	[sflag:s18] =	ssyncadd.s32 $0xFFFFFF60  }
0xa4: {  	[hbm4b:s15+s3] =	stream.linear.scatter [tilespmem:s31], [sflag:$0x1], $0xA0, $0x38;
	[tilespmem:$0x4700] =	vst v63  }
0xa5: {  	s0 =	sadd.s32 $0x1, s0;
	_ =	swait.ge [sflag:s18], $0xA0  }
0xa6: {  	p0 =	sne.s32 s0, s17;
	[sflag:s18] =	ssyncset.done $0x0  }
.Ltmp1:
0xa7: {  	[sflag:s18] =	ssyncadd.s32 $0xFFFFFF60;
	(pc) =	sbr.rel @!p0 .LBB2_11-.Ltmp1, $4  }
0xa8: {  	[hbm4b:s16+s3] =	stream.linear.scatter [tilespmem:s1], [sflag:$0x1], $0xA0, $0x38;
	[tilespmem:$0x4700] =	vst v63  }
0xa9: {  	_ =	swait.ge [sflag:s18], $0xA0  }
0xaa: {  	[sflag:s18] =	ssyncset.done $0x0  }
0xab: {  	[sflag:s18] =	ssyncadd.s32 $0xFFFFFF60  }
.LBB2_1:
0xac: {  	[tilespmem:s3], [sflag:$0x1] =	stream.linear.gather [hbm4b:s8+s3], $0xA0, $0x38;
	[tilespmem:$0x4700] =	vst v63  }
0xad: {  	_ =	swait.ge [sflag:s18], $0xA0  }
0xae: {  	[sflag:s18] =	ssyncset.done $0x0  }
0xaf: {  	s2 =	simm.s32 $0x100;
	[sflag:s18] =	ssyncadd.s32 $0xFFFFFF60  }
0xb0: {  	[tilespmem:s2], [sflag:$0x1] =	stream.linear.gather [hbm4b:s9+s3], $0xA0, $0x38;
	[tilespmem:$0x4700] =	vst v63  }
0xb1: {  	_ =	swait.ge [sflag:s18], $0xA0  }
0xb2: {  	[sflag:s18] =	ssyncset.done $0x0  }
0xb3: {  	s20 =	simm.s32 $0x200;
	[sflag:s18] =	ssyncadd.s32 $0xFFFFFF60  }
0xb4: {  	[tilespmem:s20], [sflag:$0x1] =	stream.linear.gather [hbm4b:s10+s3], $0xA0, $0x38;
	[tilespmem:$0x4700] =	vst v63  }
0xb5: {  	_ =	swait.ge [sflag:s18], $0xA0  }
0xb6: {  	[sflag:s18] =	ssyncset.done $0x0  }
0xb7: {  	s21 =	simm.s32 $0x300;
	[sflag:s18] =	ssyncadd.s32 $0xFFFFFF60  }
0xb8: {  	[tilespmem:s21], [sflag:$0x1] =	stream.linear.gather [hbm4b:s11+s3], $0xA0, $0x38;
	[tilespmem:$0x4700] =	vst v63  }
0xb9: {  	_ =	swait.ge [sflag:s18], $0xA0  }
0xba: {  	[sflag:s18] =	ssyncset.done $0x0  }
0xbb: {  	s22 =	simm.s32 $0x400;
	[sflag:s18] =	ssyncadd.s32 $0xFFFFFF60  }
0xbc: {  	[tilespmem:s22], [sflag:$0x1] =	stream.linear.gather [hbm4b:s12+s3], $0xA0, $0x38;
	[tilespmem:$0x4700] =	vst v63  }
0xbd: {  	_ =	swait.ge [sflag:s18], $0xA0  }
0xbe: {  	[sflag:s18] =	ssyncset.done $0x0  }
0xbf: {  	[sflag:s18] =	ssyncadd.s32 $0xFFFFFF60  }
0xc0: {  	s19 =	simm.s32 $0x500;
	s23 =	rddreg [dreg:$0x1]  }
0xc1: {  	[tilespmem:s19], [sflag:$0x1] =	stream.linear.gather [hbm4b:s23+s3], $0x1400, $0x38;
	[tilespmem:$0x4700] =	vst v63  }
0xc2: {  	_ =	swait.ge [sflag:s18], $0x1400  }
0xc3: {  	[sflag:s18] =	ssyncset.done $0x0  }
0xc4: {  	[sflag:s18] =	ssyncadd.s32 $0xFFFFEC00  }
0xc5: {  	[tilespmem:s24], [sflag:$0x1] =	stream.linear.gather [hbm4b:s5+s3], $0x1400, $0x38;
	[tilespmem:$0x4700] =	vst v63  }
0xc6: {  	_ =	swait.ge [sflag:s18], $0x1400  }
0xc7: {  	[sflag:s18] =	ssyncset.done $0x0  }
0xc8: {  	[sflag:s18] =	ssyncadd.s32 $0xFFFFEC00  }
0xc9: {  	[tilespmem:s25], [sflag:$0x1] =	stream.linear.gather [hbm4b:s7+s3], $0x80, $0x38;
	[tilespmem:$0x4700] =	vst v63  }
0xca: {  	_ =	swait.ge [sflag:s18], $0x80  }
0xcb: {  	[sflag:s18] =	ssyncset.done $0x0  }
0xcc: {  	[sflag:s18] =	ssyncadd.s32 $0xFFFFFF80  }
0xcd: {  	s2 =	simm.s32 $0x0;
	s19 =	simm.s32 $0x40;
	v2 =	vld [tilespmem:$0x2D00]  }
.LBB2_2:
0xce: {  	p0 =	sne.s32 s19, $0x4FC0;
	[tilespmem:s2+$0x2D80] =	vst v0;
	s2 =	smov.u32 s19;
	s19 =	sadd.s32 $0x40, s19  }
.Ltmp2:
0xcf: {  	(pc) =	sbr.rel @p0 .LBB2_2-.Ltmp2, $2  }
0xd0: {  	_ =	sdelay $0x2  }
0xd1: {  	s2 =	sshra.s32 s2, $0x2  }
0xd2: {  	(v2sf) =	vpush v2, $0x0;
	_ =	sdelay $0xe  }
0xd3: {  	s19 =	spop (v2sf)  }
0xd4: {  	s19 =	sadd.s32 $0xF, s19  }
0xd5: {  	s20 =	sand.u32 $0xF, s19  }
0xd6: {  	s23 =	sshra.s32 s19, $0x1F;
	p1 =	slt.s32 s19, $0x1;
	p0 =	sne.s32 s20, $0x0  }
0xd7: {  	s20 =	sshrl.u32 s23, $0x1C;
	p0 =	por !p1, !p0  }
0xd8: {  	s19 =	sadd.s32 s20, s19;
	s20 =	simm.s32 $0x1;
	p0 =	por !p0, !p0  }
0xd9: {  	s19 =	sshra.s32 s19, $0x4;
	s20 =	simm.s32 @!p0 $0x0  }
0xda: {  	s20 =	ssub.s32 s19, s20  }
0xdb: {  	p0 =	slt.s32 s20, $0x1  }
.Ltmp3:
0xdc: {  	_ = 	snop;
	(pc) =	sbr.rel @p0 .LBB2_10-.Ltmp3, $2  }
0xdd: {  	_ =	sdelay $0x2  }
0xde: {  	[tilespmem:s2+$0x2D80] =	vst v0  }
0xdf: {  	p1 =	sne.s32 s20, $0x1  }
.Ltmp4:
0xe0: {  	_ = 	snop;
	(pc) =	sbr.rel @!p1 .LBB2_5-.Ltmp4, $3  }
0xe1: {  	_ =	sdelay $0x1  }
0xe2: {  	s21 =	simm.s32 $0x1900;
	s2 =	simm.s32 $0x500  }
0xe3: {  	v2 =	vbroadcast v2, $0x0;
	s19 =	simm.s32 $0x0;
	s20 =	sadd.s32 $0xFFFFFFFF, s20;
	p0 =	por $0x0, $0x0;
	v3 =	vld [tilespmem:s21+$0x0]  }
0xe4: {  	_ =	sdelay $0x1  }
0xe5: {  	v4 =	vor.u32 s19, v1  }
0xe6: {  	vm0 =	vlt.s32 v4, v2  }
0xe7: {  	v4 =	vld [tilespmem:s2+$0x0];
	v3 =	vnsel vm0, $0x1408, v3  }
0xe8: {  	p1 =	sne.s32 s20, $0x1  }
.Ltmp5:
0xe9: {  	_ = 	snop;
	(pc) =	sbr.rel @!p1 .LBB2_7-.Ltmp5, $3  }
0xea: {  	_ =	sdelay $0x1  }
0xeb: {  	s22 =	simm.s32 $0x1910;
	s23 =	sadd.s32 $0xFFFFFFFF, s20;
	[tilespmem:v3+s26+$0x0] =	vst.idx.msk $0xffff, v4  }
0xec: {  	p0 =	por $0x1, $0x1;
	s20 =	simm.s32 $0x0;
	s21 =	simm.s32 $0x500;
	v3 =	vld [tilespmem:s22+$0x0]  }
.LBB2_8:
0xed: {  	p1 =	sne.s32 s23, $0x1  }
0xee: {  	s20 =	sadd.s32 $0x10, s20  }
0xef: {  	v4 =	vor.u32 s20, v1  }
0xf0: {  	s21 =	sadd.s32 $0x10, s21;
	vm0 =	vlt.s32 v4, v2  }
0xf1: {  	v3 =	vnsel vm0, $0x1408, v3;
	v4 =	vld [tilespmem:s21+$0x0];
	_ =	sdelay $0x1  }
.Ltmp6:
0xf2: {  	(pc) =	sbr.rel @p1 .LBB2_8-.Ltmp6, $3  }
0xf3: {  	_ =	sdelay $0x1  }
0xf4: {  	s22 =	sadd.s32 $0x10, s22;
	[tilespmem:v3+s26+$0x0] =	vst.idx.msk $0xffff, v4  }
0xf5: {  	s23 =	sadd.s32 $0xFFFFFFFF, s23;
	v3 =	vld [tilespmem:s22+$0x0]  }
.Ltmp7:
0xf6: {  	_ = 	snop;
	(pc) =	sbr.rel .LBB2_9-.Ltmp7, $1  }
0xf7: {  	_ =	sdelay $0x3  }
.LBB2_7:
.Ltmp8:
0xf8: {  	(pc) =	sbr.rel .LBB2_9-.Ltmp8, $2  }
0xf9: {  	_ =	sdelay $0x2  }
0xfa: {  	s20 =	simm.s32 $0x0;
	s21 =	simm.s32 $0x500  }
.LBB2_11:
0xfb: {  	_ =	sfence.sel $0x180000  }
0xfc: {  	[bflag:$0x0] =	sbarrier.arrive $0xFFFF  }
0xfd: {  	_ =	strace $0x9000004A  }
0xfe: {  	s0 =	stileid.u32;
	[bflag:$0x2] =	sbarrier.arrive $0xFFFF  }
0xff: {  	p0 =	sne.s32 s0, $0x0;
	s0 =	rddreg [dreg:$0x2]  }
0x100: {  	s0 =	sadd.s32 @!p0 $0x100000, s0  }
0x101: {  	[sflag:s0] =	ssyncadd.tile.s32 @!p0 $0x1;
	_ =	shalt  }
.Lfunc_end2:
_tile_overlayer_lowered:
.L_overlay_start_2:
0x102: {  	(tag) =	ssettag $0x2  }
0x103: {  	s0 =	rddreg [dreg:$0x0];
	s2 =	stileid.u32  }
0x104: {  	s1 =	rddreg [dreg:$0x1];
	p0 =	sne.s32 s2, $0x0  }
0x105: {  	s3 =	rddreg [dreg:$0x2];
	[bflag:$0x3] =	sbarrier.arrive $0xFFFF;
	s2 =	simm.s32 @!p0 $0x1C01  }
0x106: {  	[timem:s3], [sflag:s2] =	dma.local @!p0 [hbm:s0], s1  }
0x107: {  	s0 =	simm.s32 @!p0 $0x1  }
0x108: {  	_ =	swait.ge @!p0 [sflag:s0], s1  }
0x109: {  	s1 =	ssub.s32 @!p0 $0x0, s1;
	[sflag:s0] =	ssyncset.done @!p0 $0x0  }
0x10a: {  	[sflag:s0] =	ssyncadd.s32 @!p0 s1  }
0x10b: {  	[bflag:$0x3] =	sbarrier.arrive $0xFFFF  }
0x10c: {  	_ =	shalt  }

</sc_bundles>
